<compile_context>
chip_gen: v7x
topology: tpu7x:2x2x1
jax: 0.10.2.dev20260603
libtpu: 0.0.44.dev20260713+nightly
codegen_flags: <defaults>
</compile_context>

<pallas_src>
import functools

import jax
import jax.numpy as jnp
from jax import lax
from jax.experimental import pallas as pl
from jax.experimental.pallas import tpu as pltpu
from jax.experimental.pallas import tpu_sc as plsc

_L = 16
_CHUNK = 128


def _rsqrt_nr(x):
    i = lax.bitcast_convert_type(x, jnp.int32)
    i = jnp.int32(0x5F3759DF) - lax.shift_right_logical(i, 1)
    y = lax.bitcast_convert_type(i, jnp.float32)
    for _ in range(3):
        y = y * (jnp.float32(1.5) - jnp.float32(0.5) * x * y * y)
    return y


@functools.cache
def _make_sc_kernel(B, D, NC, NS):
    NW = NC * NS
    bpw = B // NW
    nchunks = bpw // _CHUNK
    nj = D // _L
    mesh = plsc.VectorSubcoreMesh(core_axis_name="c", subcore_axis_name="s")

    @functools.partial(
        pl.kernel,
        mesh=mesh,
        compiler_params=pltpu.CompilerParams(needs_layout_passes=False),
        out_type=jax.ShapeDtypeStruct((B,), jnp.float32),
        scratch_types=[
            pltpu.VMEM((nchunks, _CHUNK), jnp.int32),
            pltpu.VMEM((bpw, D), jnp.float32),
            pltpu.VMEM((D,), jnp.float32),
            pltpu.VMEM((_L * _L,), jnp.float32),
            pltpu.VMEM((bpw,), jnp.float32),
            pltpu.SemaphoreType.DMA,
            pltpu.SemaphoreType.DMA,
        ],
    )
    def k(p_hbm, idx_hbm, v_hbm, out_hbm, idx_v, rows_v, v_v, tv_a,
          out_v, sem, isem):
        wid = lax.axis_index("s") * NC + lax.axis_index("c")
        base = wid * bpw

        hv = pltpu.async_copy(v_hbm, v_v, isem)
        hidx = [
            pltpu.async_copy(idx_hbm.at[pl.ds(base + _CHUNK * c, _CHUNK)],
                             idx_v.at[c], isem)
            for c in range(nchunks)
        ]
        for h in hidx:
            h.wait()
        hv.wait()
        copies = [
            pltpu.async_copy(p_hbm.at[idx_v.at[c]],
                             rows_v.at[pl.ds(_CHUNK * c, _CHUNK)], sem)
            for c in range(nchunks)
        ]

        vjs = [v_v[pl.ds(_L * j, _L)] for j in range(nj)]
        vps = [plsc.pack(vjs[2 * m], vjs[2 * m + 1],
                         format=plsc.PackFormat.INTERLEAVED)
               for m in range(nj // 2)]
        iot = lax.iota(jnp.int32, _L)
        rowsel = iot * _L

        gpc = _CHUNK // _L

        def fma_group(rbase, tvbuf):
            nr = 8
            for l in range(0, _L, nr):
                def ldp(i, m):
                    x0 = rows_v[rbase + l + i, pl.ds(_L * 2 * m, _L)]
                    x1 = rows_v[rbase + l + i, pl.ds(_L * (2 * m + 1), _L)]
                    return plsc.pack(x0, x1,
                                     format=plsc.PackFormat.INTERLEAVED)

                xp = [ldp(i, 0) for i in range(nr)]
                av = [xp[i] * vps[0] for i in range(nr)]
                asq = [xp[i] * xp[i] for i in range(nr)]
                for m in range(1, nj // 2):
                    xp = [ldp(i, m) for i in range(nr)]
                    for i in range(nr):
                        av[i] = av[i] + xp[i] * vps[m]
                        asq[i] = asq[i] + xp[i] * xp[i]
                for i in range(nr):
                    a0, a1 = plsc.unpack(av[i],
                                         format=plsc.PackFormat.INTERLEAVED)
                    s0, s1 = plsc.unpack(asq[i],
                                         format=plsc.PackFormat.INTERLEAVED)
                    pr = plsc.pack(a0 + a1, s0 + s1,
                                   format=plsc.PackFormat.INTERLEAVED)
                    tvbuf[pl.ds(_L * (l + i), _L)] = plsc.bitcast(
                        pr, jnp.float32)

        def finish_group(rbase, tvbuf):
            cols = [plsc.bitcast(plsc.load_gather(tvbuf, [rowsel + j]),
                                 jnp.bfloat16) for j in range(_L)]
            while len(cols) > 1:
                cols = [cols[2 * k] + cols[2 * k + 1]
                        for k in range(len(cols) // 2)]
            sv, ss = plsc.unpack(cols[0], format=plsc.PackFormat.INTERLEAVED)
            nsq = jnp.maximum(ss, jnp.float32(1e-24))
            out_v[pl.ds(rbase, _L)] = sv * _rsqrt_nr(nsq)

        def body(g, carry):
            for c in range(1, nchunks):
                pl.when(g == c * gpc)(lambda c=c: copies[c].wait())
            rbase = g * _L
            fma_group(rbase, tv_a)
            finish_group(rbase, tv_a)
            return carry

        copies[0].wait()
        lax.fori_loop(0, bpw // _L, body, 0)
        pltpu.sync_copy(out_v, out_hbm.at[pl.ds(base, bpw)])

    return k


def _proj_body(p_ref, w_ref, c_ref, o_ref):
    p2 = jnp.reshape(p_ref[...], (1, -1))
    pe = lax.dot_general(
        p2, w_ref[...],
        dimension_numbers=(((1,), (1,)), ((), ())),
        preferred_element_type=jnp.float32)
    o_ref[...] = jnp.reshape(pe * c_ref[...], (-1,))


def _proj(prompt_embed, text_proj_w, classifier_w):
    return pl.pallas_call(
        _proj_body,
        out_shape=jax.ShapeDtypeStruct((text_proj_w.shape[0],), jnp.float32),
    )(prompt_embed, text_proj_w, classifier_w)


def kernel(model_id, prompt_embed, P, text_proj_w, classifier_w):
    v = _proj(prompt_embed, text_proj_w, classifier_w)
    info = plsc.get_sparse_core_info()
    sc = _make_sc_kernel(model_id.shape[0], P.shape[1], info.num_cores,
                         info.num_subcores)
    return sc(P, model_id.astype(jnp.int32), v)

# --- scband reference (transcript-rebuilt; emitter-appended) ---
"""Pipeline reference for scband-mfmodel-32117765440049 (READ-ONLY COPY).

The authoritative reference and input builder live on the scoring server;
editing this copy changes nothing except your own understanding.
"""

import jax, jax.numpy as jnp
import numpy as np

NUM_MODELS = 100000
DIM = 128
TEXT_DIM = 1536
BATCH = 16384


def setup_inputs(seed: int = 0) -> dict:
    key = jax.random.key(seed)
    k1, k2, k3, k4, k5 = jax.random.split(key, 5)
    return {
        "model_id": jax.random.randint(k1, (BATCH,), 0, NUM_MODELS, dtype=jnp.int64 if jax.config.jax_enable_x64 else jnp.int32).astype(jnp.int32),
        "prompt_embed": jax.random.normal(k2, (TEXT_DIM,), dtype=jnp.float32),
        "P": jax.random.normal(k3, (NUM_MODELS, DIM), dtype=jnp.float32) * 0.02,
        "text_proj_w": jax.random.normal(k4, (DIM, TEXT_DIM), dtype=jnp.float32) * 0.02,
        "classifier_w": jax.random.normal(k5, (1, DIM), dtype=jnp.float32) * 0.02,
    }


def reference(model_id, prompt_embed, P, text_proj_w, classifier_w):
    # model_embed = self.P(model_id)
    model_embed = jnp.take(P, model_id, axis=0)  # [B, dim] gather (embedding lookup)
    # F.normalize(model_embed, p=2, dim=1)
    norm = jnp.linalg.norm(model_embed, ord=2, axis=1, keepdims=True)
    model_embed = model_embed / jnp.maximum(norm, 1e-12)
    # prompt_embed = self.text_proj(prompt_embed)  (Linear, bias=False)
    pe = prompt_embed @ text_proj_w.T  # [dim]
    # self.classifier(model_embed * prompt_embed).squeeze()
    logits = (model_embed * pe) @ classifier_w.T  # [B, 1]
    return jnp.squeeze(logits)

if __name__ == "__main__":
    import jax
    _d = setup_inputs()
    print(jax.jit(kernel)(*tuple(_d.values())))

</pallas_src>

<mosaic_0001>
#map = affine_map<(d0, d1) -> (0, 0)>
#map1 = affine_map<(d0, d1) -> (0)>
module attributes {stable_mosaic.version = 14 : i64} {
  func.func @k(%arg0: i32, %arg1: i32, %arg2: memref<100000x128xf32, #tpu.memory_space<hbm>>, %arg3: memref<16384xi32, #tpu.memory_space<hbm>>, %arg4: memref<128xf32, #tpu.memory_space<hbm>>, %arg5: memref<16384xf32, #tpu.memory_space<hbm>>, %arg6: memref<4x128xi32, #tpu.memory_space<vmem>>, %arg7: memref<512x128xf32, #tpu.memory_space<vmem>>, %arg8: memref<128xf32, #tpu.memory_space<vmem>>, %arg9: memref<256xf32, #tpu.memory_space<vmem>>, %arg10: memref<512xf32, #tpu.memory_space<vmem>>, %arg11: memref<!tpu.dma_semaphore, #tpu.memory_space<semaphore_mem>>, %arg12: memref<!tpu.dma_semaphore, #tpu.memory_space<semaphore_mem>>) attributes {dimension_semantics = [#tpu.dimension_semantics<core_parallel>, #tpu.dimension_semantics<subcore_parallel>], iteration_bounds = array<i64: 2, 16>, scalar_prefetch = 0 : i64, scratch_operands = 7 : i64, tpu.core_type = #tpu.core_type<sc_vector_subcore>, window_params = [{transform_indices = #map}, {transform_indices = #map1}, {transform_indices = #map1}, {transform_indices = #map1}]} {
    %mul3A = arith.constant 2 : i32
    %mul3A_0 = arith.muli %arg1, %mul3A : i32
    %add3A = arith.addi %mul3A_0, %arg0 : i32
    %mul3A_1 = arith.constant 512 : i32
    %mul3A_2 = arith.muli %add3A, %mul3A_1 : i32
    tpu.enqueue_dma source(%arg4 : memref<128xf32, #tpu.memory_space<hbm>>) target(%arg8 : memref<128xf32, #tpu.memory_space<vmem>>) target_semaphore(%arg12 : memref<!tpu.dma_semaphore, #tpu.memory_space<semaphore_mem>>)
    %add3A_3 = arith.constant 0 : i32
    %add3A_4 = arith.addi %mul3A_2, %add3A_3 : i32
    %dma_start3A = arith.constant 0 : i32
    %dma_start3A_5 = arith.constant 0 : i32
    %dma_start3A_6 = tpu.memref_slice %arg6[%dma_start3A, %dma_start3A_5] : memref<4x128xi32, #tpu.memory_space<vmem>> -> memref<1x128xi32, #tpu.memory_space<vmem>>
    %dma_start3A_7 = tpu.memref_squeeze %dma_start3A_6 : memref<1x128xi32, #tpu.memory_space<vmem>> -> memref<128xi32, #tpu.memory_space<vmem>>
    %dma_start3A_8 = tpu.memref_slice %arg3[%add3A_4] : memref<16384xi32, #tpu.memory_space<hbm>> -> memref<128xi32, #tpu.memory_space<hbm>>
    %dma_start3A_9 = arith.constant 0 : i32
    %dma_start3A_10 = tpu.memref_slice %arg6[%dma_start3A, %dma_start3A_9] : memref<4x128xi32, #tpu.memory_space<vmem>> -> memref<1x128xi32, #tpu.memory_space<vmem>>
    %dma_start3A_11 = tpu.memref_squeeze %dma_start3A_10 : memref<1x128xi32, #tpu.memory_space<vmem>> -> memref<128xi32, #tpu.memory_space<vmem>>
    %dma_start3A_12 = tpu.memref_slice %arg3[%add3A_4] : memref<16384xi32, #tpu.memory_space<hbm>> -> memref<128xi32, #tpu.memory_space<hbm>>
    tpu.enqueue_dma source(%dma_start3A_12 : memref<128xi32, #tpu.memory_space<hbm>>) target(%dma_start3A_11 : memref<128xi32, #tpu.memory_space<vmem>>) target_semaphore(%arg12 : memref<!tpu.dma_semaphore, #tpu.memory_space<semaphore_mem>>)
    %add3A_13 = arith.constant 128 : i32
    %add3A_14 = arith.addi %mul3A_2, %add3A_13 : i32
    %dma_start3A_15 = arith.constant 1 : i32
    %dma_start3A_16 = arith.constant 0 : i32
    %dma_start3A_17 = tpu.memref_slice %arg6[%dma_start3A_15, %dma_start3A_16] : memref<4x128xi32, #tpu.memory_space<vmem>> -> memref<1x128xi32, #tpu.memory_space<vmem>>
    %dma_start3A_18 = tpu.memref_squeeze %dma_start3A_17 : memref<1x128xi32, #tpu.memory_space<vmem>> -> memref<128xi32, #tpu.memory_space<vmem>>
    %dma_start3A_19 = tpu.memref_slice %arg3[%add3A_14] : memref<16384xi32, #tpu.memory_space<hbm>> -> memref<128xi32, #tpu.memory_space<hbm>>
    %dma_start3A_20 = arith.constant 0 : i32
    %dma_start3A_21 = tpu.memref_slice %arg6[%dma_start3A_15, %dma_start3A_20] : memref<4x128xi32, #tpu.memory_space<vmem>> -> memref<1x128xi32, #tpu.memory_space<vmem>>
    %dma_start3A_22 = tpu.memref_squeeze %dma_start3A_21 : memref<1x128xi32, #tpu.memory_space<vmem>> -> memref<128xi32, #tpu.memory_space<vmem>>
    %dma_start3A_23 = tpu.memref_slice %arg3[%add3A_14] : memref<16384xi32, #tpu.memory_space<hbm>> -> memref<128xi32, #tpu.memory_space<hbm>>
    tpu.enqueue_dma source(%dma_start3A_23 : memref<128xi32, #tpu.memory_space<hbm>>) target(%dma_start3A_22 : memref<128xi32, #tpu.memory_space<vmem>>) target_semaphore(%arg12 : memref<!tpu.dma_semaphore, #tpu.memory_space<semaphore_mem>>)
    %add3A_24 = arith.constant 256 : i32
    %add3A_25 = arith.addi %mul3A_2, %add3A_24 : i32
    %dma_start3A_26 = arith.constant 2 : i32
    %dma_start3A_27 = arith.constant 0 : i32
    %dma_start3A_28 = tpu.memref_slice %arg6[%dma_start3A_26, %dma_start3A_27] : memref<4x128xi32, #tpu.memory_space<vmem>> -> memref<1x128xi32, #tpu.memory_space<vmem>>
    %dma_start3A_29 = tpu.memref_squeeze %dma_start3A_28 : memref<1x128xi32, #tpu.memory_space<vmem>> -> memref<128xi32, #tpu.memory_space<vmem>>
    %dma_start3A_30 = tpu.memref_slice %arg3[%add3A_25] : memref<16384xi32, #tpu.memory_space<hbm>> -> memref<128xi32, #tpu.memory_space<hbm>>
    %dma_start3A_31 = arith.constant 0 : i32
    %dma_start3A_32 = tpu.memref_slice %arg6[%dma_start3A_26, %dma_start3A_31] : memref<4x128xi32, #tpu.memory_space<vmem>> -> memref<1x128xi32, #tpu.memory_space<vmem>>
    %dma_start3A_33 = tpu.memref_squeeze %dma_start3A_32 : memref<1x128xi32, #tpu.memory_space<vmem>> -> memref<128xi32, #tpu.memory_space<vmem>>
    %dma_start3A_34 = tpu.memref_slice %arg3[%add3A_25] : memref<16384xi32, #tpu.memory_space<hbm>> -> memref<128xi32, #tpu.memory_space<hbm>>
    tpu.enqueue_dma source(%dma_start3A_34 : memref<128xi32, #tpu.memory_space<hbm>>) target(%dma_start3A_33 : memref<128xi32, #tpu.memory_space<vmem>>) target_semaphore(%arg12 : memref<!tpu.dma_semaphore, #tpu.memory_space<semaphore_mem>>)
    %add3A_35 = arith.constant 384 : i32
    %add3A_36 = arith.addi %mul3A_2, %add3A_35 : i32
    %dma_start3A_37 = arith.constant 3 : i32
    %dma_start3A_38 = arith.constant 0 : i32
    %dma_start3A_39 = tpu.memref_slice %arg6[%dma_start3A_37, %dma_start3A_38] : memref<4x128xi32, #tpu.memory_space<vmem>> -> memref<1x128xi32, #tpu.memory_space<vmem>>
    %dma_start3A_40 = tpu.memref_squeeze %dma_start3A_39 : memref<1x128xi32, #tpu.memory_space<vmem>> -> memref<128xi32, #tpu.memory_space<vmem>>
    %dma_start3A_41 = tpu.memref_slice %arg3[%add3A_36] : memref<16384xi32, #tpu.memory_space<hbm>> -> memref<128xi32, #tpu.memory_space<hbm>>
    %dma_start3A_42 = arith.constant 0 : i32
    %dma_start3A_43 = tpu.memref_slice %arg6[%dma_start3A_37, %dma_start3A_42] : memref<4x128xi32, #tpu.memory_space<vmem>> -> memref<1x128xi32, #tpu.memory_space<vmem>>
    %dma_start3A_44 = tpu.memref_squeeze %dma_start3A_43 : memref<1x128xi32, #tpu.memory_space<vmem>> -> memref<128xi32, #tpu.memory_space<vmem>>
    %dma_start3A_45 = tpu.memref_slice %arg3[%add3A_36] : memref<16384xi32, #tpu.memory_space<hbm>> -> memref<128xi32, #tpu.memory_space<hbm>>
    tpu.enqueue_dma source(%dma_start3A_45 : memref<128xi32, #tpu.memory_space<hbm>>) target(%dma_start3A_44 : memref<128xi32, #tpu.memory_space<vmem>>) target_semaphore(%arg12 : memref<!tpu.dma_semaphore, #tpu.memory_space<semaphore_mem>>)
    %dma_wait3A = arith.constant 0 : i32
    %dma_wait3A_46 = arith.constant 0 : i32
    %dma_wait3A_47 = tpu.memref_slice %arg6[%dma_wait3A, %dma_wait3A_46] : memref<4x128xi32, #tpu.memory_space<vmem>> -> memref<1x128xi32, #tpu.memory_space<vmem>>
    %dma_wait3A_48 = tpu.memref_squeeze %dma_wait3A_47 : memref<1x128xi32, #tpu.memory_space<vmem>> -> memref<128xi32, #tpu.memory_space<vmem>>
    %dma_wait3A_49 = tpu.memref_slice %arg3[%add3A_4] : memref<16384xi32, #tpu.memory_space<hbm>> -> memref<128xi32, #tpu.memory_space<hbm>>
    %dma_wait3A_50 = arith.constant 0 : i32
    %dma_wait3A_51 = tpu.memref_slice %arg6[%dma_wait3A, %dma_wait3A_50] : memref<4x128xi32, #tpu.memory_space<vmem>> -> memref<1x128xi32, #tpu.memory_space<vmem>>
    %dma_wait3A_52 = tpu.memref_squeeze %dma_wait3A_51 : memref<1x128xi32, #tpu.memory_space<vmem>> -> memref<128xi32, #tpu.memory_space<vmem>>
    %dma_wait3A_53 = tpu.memref_slice %arg3[%add3A_4] : memref<16384xi32, #tpu.memory_space<hbm>> -> memref<128xi32, #tpu.memory_space<hbm>>
    tpu.wait_dma2 semaphore(%arg12 : memref<!tpu.dma_semaphore, #tpu.memory_space<semaphore_mem>>) src(%dma_wait3A_53 : memref<128xi32, #tpu.memory_space<hbm>>) dst(%dma_wait3A_52 : memref<128xi32, #tpu.memory_space<vmem>>)
    %dma_wait3A_54 = arith.constant 1 : i32
    %dma_wait3A_55 = arith.constant 0 : i32
    %dma_wait3A_56 = tpu.memref_slice %arg6[%dma_wait3A_54, %dma_wait3A_55] : memref<4x128xi32, #tpu.memory_space<vmem>> -> memref<1x128xi32, #tpu.memory_space<vmem>>
    %dma_wait3A_57 = tpu.memref_squeeze %dma_wait3A_56 : memref<1x128xi32, #tpu.memory_space<vmem>> -> memref<128xi32, #tpu.memory_space<vmem>>
    %dma_wait3A_58 = tpu.memref_slice %arg3[%add3A_14] : memref<16384xi32, #tpu.memory_space<hbm>> -> memref<128xi32, #tpu.memory_space<hbm>>
    %dma_wait3A_59 = arith.constant 0 : i32
    %dma_wait3A_60 = tpu.memref_slice %arg6[%dma_wait3A_54, %dma_wait3A_59] : memref<4x128xi32, #tpu.memory_space<vmem>> -> memref<1x128xi32, #tpu.memory_space<vmem>>
    %dma_wait3A_61 = tpu.memref_squeeze %dma_wait3A_60 : memref<1x128xi32, #tpu.memory_space<vmem>> -> memref<128xi32, #tpu.memory_space<vmem>>
    %dma_wait3A_62 = tpu.memref_slice %arg3[%add3A_14] : memref<16384xi32, #tpu.memory_space<hbm>> -> memref<128xi32, #tpu.memory_space<hbm>>
    tpu.wait_dma2 semaphore(%arg12 : memref<!tpu.dma_semaphore, #tpu.memory_space<semaphore_mem>>) src(%dma_wait3A_62 : memref<128xi32, #tpu.memory_space<hbm>>) dst(%dma_wait3A_61 : memref<128xi32, #tpu.memory_space<vmem>>)
    %dma_wait3A_63 = arith.constant 2 : i32
    %dma_wait3A_64 = arith.constant 0 : i32
    %dma_wait3A_65 = tpu.memref_slice %arg6[%dma_wait3A_63, %dma_wait3A_64] : memref<4x128xi32, #tpu.memory_space<vmem>> -> memref<1x128xi32, #tpu.memory_space<vmem>>
    %dma_wait3A_66 = tpu.memref_squeeze %dma_wait3A_65 : memref<1x128xi32, #tpu.memory_space<vmem>> -> memref<128xi32, #tpu.memory_space<vmem>>
    %dma_wait3A_67 = tpu.memref_slice %arg3[%add3A_25] : memref<16384xi32, #tpu.memory_space<hbm>> -> memref<128xi32, #tpu.memory_space<hbm>>
    %dma_wait3A_68 = arith.constant 0 : i32
    %dma_wait3A_69 = tpu.memref_slice %arg6[%dma_wait3A_63, %dma_wait3A_68] : memref<4x128xi32, #tpu.memory_space<vmem>> -> memref<1x128xi32, #tpu.memory_space<vmem>>
    %dma_wait3A_70 = tpu.memref_squeeze %dma_wait3A_69 : memref<1x128xi32, #tpu.memory_space<vmem>> -> memref<128xi32, #tpu.memory_space<vmem>>
    %dma_wait3A_71 = tpu.memref_slice %arg3[%add3A_25] : memref<16384xi32, #tpu.memory_space<hbm>> -> memref<128xi32, #tpu.memory_space<hbm>>
    tpu.wait_dma2 semaphore(%arg12 : memref<!tpu.dma_semaphore, #tpu.memory_space<semaphore_mem>>) src(%dma_wait3A_71 : memref<128xi32, #tpu.memory_space<hbm>>) dst(%dma_wait3A_70 : memref<128xi32, #tpu.memory_space<vmem>>)
    %dma_wait3A_72 = arith.constant 3 : i32
    %dma_wait3A_73 = arith.constant 0 : i32
    %dma_wait3A_74 = tpu.memref_slice %arg6[%dma_wait3A_72, %dma_wait3A_73] : memref<4x128xi32, #tpu.memory_space<vmem>> -> memref<1x128xi32, #tpu.memory_space<vmem>>
    %dma_wait3A_75 = tpu.memref_squeeze %dma_wait3A_74 : memref<1x128xi32, #tpu.memory_space<vmem>> -> memref<128xi32, #tpu.memory_space<vmem>>
    %dma_wait3A_76 = tpu.memref_slice %arg3[%add3A_36] : memref<16384xi32, #tpu.memory_space<hbm>> -> memref<128xi32, #tpu.memory_space<hbm>>
    %dma_wait3A_77 = arith.constant 0 : i32
    %dma_wait3A_78 = tpu.memref_slice %arg6[%dma_wait3A_72, %dma_wait3A_77] : memref<4x128xi32, #tpu.memory_space<vmem>> -> memref<1x128xi32, #tpu.memory_space<vmem>>
    %dma_wait3A_79 = tpu.memref_squeeze %dma_wait3A_78 : memref<1x128xi32, #tpu.memory_space<vmem>> -> memref<128xi32, #tpu.memory_space<vmem>>
    %dma_wait3A_80 = tpu.memref_slice %arg3[%add3A_36] : memref<16384xi32, #tpu.memory_space<hbm>> -> memref<128xi32, #tpu.memory_space<hbm>>
    tpu.wait_dma2 semaphore(%arg12 : memref<!tpu.dma_semaphore, #tpu.memory_space<semaphore_mem>>) src(%dma_wait3A_80 : memref<128xi32, #tpu.memory_space<hbm>>) dst(%dma_wait3A_79 : memref<128xi32, #tpu.memory_space<vmem>>)
    tpu.wait_dma2 semaphore(%arg12 : memref<!tpu.dma_semaphore, #tpu.memory_space<semaphore_mem>>) src(%arg4 : memref<128xf32, #tpu.memory_space<hbm>>) dst(%arg8 : memref<128xf32, #tpu.memory_space<vmem>>)
    %dma_start3A_81 = arith.constant 0 : i32
    %dma_start3A_82 = arith.constant 0 : i32
    %dma_start3A_83 = arith.constant 0 : i32
    %dma_start3A_84 = tpu.memref_slice %arg7[%dma_start3A_82, %dma_start3A_83] : memref<512x128xf32, #tpu.memory_space<vmem>> -> memref<128x128xf32, #tpu.memory_space<vmem>>
    %dma_start3A_85 = arith.constant 0 : i32
    %dma_start3A_86 = tpu.memref_slice %arg6[%dma_start3A_81, %dma_start3A_85] : memref<4x128xi32, #tpu.memory_space<vmem>> -> memref<1x128xi32, #tpu.memory_space<vmem>>
    %dma_start3A_87 = tpu.memref_squeeze %dma_start3A_86 : memref<1x128xi32, #tpu.memory_space<vmem>> -> memref<128xi32, #tpu.memory_space<vmem>>
    %dma_start3A_88 = arith.constant 0 : i32
    %dma_start3A_89 = arith.constant 0 : i32
    %dma_start3A_90 = tpu.memref_slice %arg2[%dma_start3A_88, %dma_start3A_89] : memref<100000x128xf32, #tpu.memory_space<hbm>> -> memref<100000x128xf32, #tpu.memory_space<hbm>>
    tpu.enqueue_indirect_dma source(%dma_start3A_90 : memref<100000x128xf32, #tpu.memory_space<hbm>>) target(%dma_start3A_84 : memref<128x128xf32, #tpu.memory_space<vmem>>) offsets(%dma_start3A_87 : memref<128xi32, #tpu.memory_space<vmem>>) semaphore(%arg11 : memref<!tpu.dma_semaphore, #tpu.memory_space<semaphore_mem>>)
    %dma_start3A_91 = arith.constant 1 : i32
    %dma_start3A_92 = arith.constant 128 : i32
    %dma_start3A_93 = arith.constant 0 : i32
    %dma_start3A_94 = tpu.memref_slice %arg7[%dma_start3A_92, %dma_start3A_93] : memref<512x128xf32, #tpu.memory_space<vmem>> -> memref<128x128xf32, #tpu.memory_space<vmem>>
    %dma_start3A_95 = arith.constant 0 : i32
    %dma_start3A_96 = tpu.memref_slice %arg6[%dma_start3A_91, %dma_start3A_95] : memref<4x128xi32, #tpu.memory_space<vmem>> -> memref<1x128xi32, #tpu.memory_space<vmem>>
    %dma_start3A_97 = tpu.memref_squeeze %dma_start3A_96 : memref<1x128xi32, #tpu.memory_space<vmem>> -> memref<128xi32, #tpu.memory_space<vmem>>
    %dma_start3A_98 = arith.constant 0 : i32
    %dma_start3A_99 = arith.constant 0 : i32
    %dma_start3A_100 = tpu.memref_slice %arg2[%dma_start3A_98, %dma_start3A_99] : memref<100000x128xf32, #tpu.memory_space<hbm>> -> memref<100000x128xf32, #tpu.memory_space<hbm>>
    tpu.enqueue_indirect_dma source(%dma_start3A_100 : memref<100000x128xf32, #tpu.memory_space<hbm>>) target(%dma_start3A_94 : memref<128x128xf32, #tpu.memory_space<vmem>>) offsets(%dma_start3A_97 : memref<128xi32, #tpu.memory_space<vmem>>) semaphore(%arg11 : memref<!tpu.dma_semaphore, #tpu.memory_space<semaphore_mem>>)
    %dma_start3A_101 = arith.constant 2 : i32
    %dma_start3A_102 = arith.constant 256 : i32
    %dma_start3A_103 = arith.constant 0 : i32
    %dma_start3A_104 = tpu.memref_slice %arg7[%dma_start3A_102, %dma_start3A_103] : memref<512x128xf32, #tpu.memory_space<vmem>> -> memref<128x128xf32, #tpu.memory_space<vmem>>
    %dma_start3A_105 = arith.constant 0 : i32
    %dma_start3A_106 = tpu.memref_slice %arg6[%dma_start3A_101, %dma_start3A_105] : memref<4x128xi32, #tpu.memory_space<vmem>> -> memref<1x128xi32, #tpu.memory_space<vmem>>
    %dma_start3A_107 = tpu.memref_squeeze %dma_start3A_106 : memref<1x128xi32, #tpu.memory_space<vmem>> -> memref<128xi32, #tpu.memory_space<vmem>>
    %dma_start3A_108 = arith.constant 0 : i32
    %dma_start3A_109 = arith.constant 0 : i32
    %dma_start3A_110 = tpu.memref_slice %arg2[%dma_start3A_108, %dma_start3A_109] : memref<100000x128xf32, #tpu.memory_space<hbm>> -> memref<100000x128xf32, #tpu.memory_space<hbm>>
    tpu.enqueue_indirect_dma source(%dma_start3A_110 : memref<100000x128xf32, #tpu.memory_space<hbm>>) target(%dma_start3A_104 : memref<128x128xf32, #tpu.memory_space<vmem>>) offsets(%dma_start3A_107 : memref<128xi32, #tpu.memory_space<vmem>>) semaphore(%arg11 : memref<!tpu.dma_semaphore, #tpu.memory_space<semaphore_mem>>)
    %dma_start3A_111 = arith.constant 3 : i32
    %dma_start3A_112 = arith.constant 384 : i32
    %dma_start3A_113 = arith.constant 0 : i32
    %dma_start3A_114 = tpu.memref_slice %arg7[%dma_start3A_112, %dma_start3A_113] : memref<512x128xf32, #tpu.memory_space<vmem>> -> memref<128x128xf32, #tpu.memory_space<vmem>>
    %dma_start3A_115 = arith.constant 0 : i32
    %dma_start3A_116 = tpu.memref_slice %arg6[%dma_start3A_111, %dma_start3A_115] : memref<4x128xi32, #tpu.memory_space<vmem>> -> memref<1x128xi32, #tpu.memory_space<vmem>>
    %dma_start3A_117 = tpu.memref_squeeze %dma_start3A_116 : memref<1x128xi32, #tpu.memory_space<vmem>> -> memref<128xi32, #tpu.memory_space<vmem>>
    %dma_start3A_118 = arith.constant 0 : i32
    %dma_start3A_119 = arith.constant 0 : i32
    %dma_start3A_120 = tpu.memref_slice %arg2[%dma_start3A_118, %dma_start3A_119] : memref<100000x128xf32, #tpu.memory_space<hbm>> -> memref<100000x128xf32, #tpu.memory_space<hbm>>
    tpu.enqueue_indirect_dma source(%dma_start3A_120 : memref<100000x128xf32, #tpu.memory_space<hbm>>) target(%dma_start3A_114 : memref<128x128xf32, #tpu.memory_space<vmem>>) offsets(%dma_start3A_117 : memref<128xi32, #tpu.memory_space<vmem>>) semaphore(%arg11 : memref<!tpu.dma_semaphore, #tpu.memory_space<semaphore_mem>>)
    %get3A = arith.constant 0 : index
    %get3A_121 = tpu.vector_load %arg8[%get3A] {strides = array<i32>} : memref<128xf32, #tpu.memory_space<vmem>>, vector<16xf32>,
    %get3A_122 = arith.constant 16 : index
    %get3A_123 = tpu.vector_load %arg8[%get3A_122] {strides = array<i32>} : memref<128xf32, #tpu.memory_space<vmem>>, vector<16xf32>,
    %get3A_124 = arith.constant 32 : index
    %get3A_125 = tpu.vector_load %arg8[%get3A_124] {strides = array<i32>} : memref<128xf32, #tpu.memory_space<vmem>>, vector<16xf32>,
    %get3A_126 = arith.constant 48 : index
    %get3A_127 = tpu.vector_load %arg8[%get3A_126] {strides = array<i32>} : memref<128xf32, #tpu.memory_space<vmem>>, vector<16xf32>,
    %get3A_128 = arith.constant 64 : index
    %get3A_129 = tpu.vector_load %arg8[%get3A_128] {strides = array<i32>} : memref<128xf32, #tpu.memory_space<vmem>>, vector<16xf32>,
    %get3A_130 = arith.constant 80 : index
    %get3A_131 = tpu.vector_load %arg8[%get3A_130] {strides = array<i32>} : memref<128xf32, #tpu.memory_space<vmem>>, vector<16xf32>,
    %get3A_132 = arith.constant 96 : index
    %get3A_133 = tpu.vector_load %arg8[%get3A_132] {strides = array<i32>} : memref<128xf32, #tpu.memory_space<vmem>>, vector<16xf32>,
    %get3A_134 = arith.constant 112 : index
    %get3A_135 = tpu.vector_load %arg8[%get3A_134] {strides = array<i32>} : memref<128xf32, #tpu.memory_space<vmem>>, vector<16xf32>,
    %pack3A = tpu.pack_subelements %get3A_121, %get3A_123 {pack_format = #tpu.pack_format<interleaved>, positions = array<i32: 0, 1>} : vector<16xf32>, vector<16xf32> -> vector<32xbf16>
    %pack3A_136 = tpu.pack_subelements %get3A_125, %get3A_127 {pack_format = #tpu.pack_format<interleaved>, positions = array<i32: 0, 1>} : vector<16xf32>, vector<16xf32> -> vector<32xbf16>
    %pack3A_137 = tpu.pack_subelements %get3A_129, %get3A_131 {pack_format = #tpu.pack_format<interleaved>, positions = array<i32: 0, 1>} : vector<16xf32>, vector<16xf32> -> vector<32xbf16>
    %pack3A_138 = tpu.pack_subelements %get3A_133, %get3A_135 {pack_format = #tpu.pack_format<interleaved>, positions = array<i32: 0, 1>} : vector<16xf32>, vector<16xf32> -> vector<32xbf16>
    %iota3A = tpu.iota {dimensions = array<i32: 0>} : vector<16xi32>
    %mul3A_139 = arith.constant 16 : i32
    %mul3A_140 = vector.broadcast %mul3A_139 : i32 to vector<16xi32>
    %mul3A_141 = arith.muli %iota3A, %mul3A_140 : vector<16xi32>
    %dma_wait3A_142 = arith.constant 0 : i32
    %dma_wait3A_143 = arith.constant 0 : i32
    %dma_wait3A_144 = arith.constant 0 : i32
    %dma_wait3A_145 = tpu.memref_slice %arg7[%dma_wait3A_143, %dma_wait3A_144] : memref<512x128xf32, #tpu.memory_space<vmem>> -> memref<128x128xf32, #tpu.memory_space<vmem>>
    %dma_wait3A_146 = arith.constant 0 : i32
    %dma_wait3A_147 = tpu.memref_slice %arg6[%dma_wait3A_142, %dma_wait3A_146] : memref<4x128xi32, #tpu.memory_space<vmem>> -> memref<1x128xi32, #tpu.memory_space<vmem>>
    %dma_wait3A_148 = tpu.memref_squeeze %dma_wait3A_147 : memref<1x128xi32, #tpu.memory_space<vmem>> -> memref<128xi32, #tpu.memory_space<vmem>>
    %dma_wait3A_149 = arith.constant 0 : i32
    %dma_wait3A_150 = arith.constant 0 : i32
    %dma_wait3A_151 = tpu.memref_slice %arg2[%dma_wait3A_149, %dma_wait3A_150] : memref<100000x128xf32, #tpu.memory_space<hbm>> -> memref<100000x128xf32, #tpu.memory_space<hbm>>
    tpu.wait_indirect_dma semaphore(%arg11 : memref<!tpu.dma_semaphore, #tpu.memory_space<semaphore_mem>>) src(%dma_wait3A_151 : memref<100000x128xf32, #tpu.memory_space<hbm>>) dst(%dma_wait3A_145 : memref<128x128xf32, #tpu.memory_space<vmem>>)
    %scan3A = arith.constant 0 : i32
    %scan3A_152 = arith.constant 1 : i32
    %scan3A_153 = arith.constant 2 : i32
    %scan3A_154 = arith.constant 3 : i32
    %scan3A_155 = arith.constant 0 : i32
    %scan3A_156 = arith.constant 32 : i32
    %scan3A_157 = arith.addi %scan3A_155, %scan3A_156 : i32
    %scan3A_158 = arith.constant 1 : i32
    scf.for %scan3A_160 = %scan3A_155 to %scan3A_157 step %scan3A_158  : i32 {
      %eq3A = arith.constant 8 : i32
      %eq3A_161 = arith.cmpi eq, %scan3A_160, %eq3A : i32
      %convert_element_type3A = arith.extui %eq3A_161 : i1 to i32
      %cond3A = arith.constant 0 : i32
      %cond3A_162 = arith.cmpi ne, %convert_element_type3A, %cond3A : i32
      scf.if %cond3A_162 {
        %dma_wait3A_1649 = arith.constant 128 : i32
        %dma_wait3A_1650 = arith.constant 0 : i32
        %dma_wait3A_1651 = tpu.memref_slice %arg7[%dma_wait3A_1649, %dma_wait3A_1650] : memref<512x128xf32, #tpu.memory_space<vmem>> -> memref<128x128xf32, #tpu.memory_space<vmem>>
        %dma_wait3A_1652 = arith.constant 0 : i32
        %dma_wait3A_1653 = tpu.memref_slice %arg6[%scan3A_152, %dma_wait3A_1652] : memref<4x128xi32, #tpu.memory_space<vmem>> -> memref<1x128xi32, #tpu.memory_space<vmem>>
        %dma_wait3A_1654 = tpu.memref_squeeze %dma_wait3A_1653 : memref<1x128xi32, #tpu.memory_space<vmem>> -> memref<128xi32, #tpu.memory_space<vmem>>
        %dma_wait3A_1655 = arith.constant 0 : i32
        %dma_wait3A_1656 = arith.constant 0 : i32
        %dma_wait3A_1657 = tpu.memref_slice %arg2[%dma_wait3A_1655, %dma_wait3A_1656] : memref<100000x128xf32, #tpu.memory_space<hbm>> -> memref<100000x128xf32, #tpu.memory_space<hbm>>
        tpu.wait_indirect_dma semaphore(%arg11 : memref<!tpu.dma_semaphore, #tpu.memory_space<semaphore_mem>>) src(%dma_wait3A_1657 : memref<100000x128xf32, #tpu.memory_space<hbm>>) dst(%dma_wait3A_1651 : memref<128x128xf32, #tpu.memory_space<vmem>>)
      } else {
      }
      %eq3A_163 = arith.constant 16 : i32
      %eq3A_164 = arith.cmpi eq, %scan3A_160, %eq3A_163 : i32
      %convert_element_type3A_165 = arith.extui %eq3A_164 : i1 to i32
      %cond3A_166 = arith.constant 0 : i32
      %cond3A_167 = arith.cmpi ne, %convert_element_type3A_165, %cond3A_166 : i32
      scf.if %cond3A_167 {
        %dma_wait3A_1649 = arith.constant 256 : i32
        %dma_wait3A_1650 = arith.constant 0 : i32
        %dma_wait3A_1651 = tpu.memref_slice %arg7[%dma_wait3A_1649, %dma_wait3A_1650] : memref<512x128xf32, #tpu.memory_space<vmem>> -> memref<128x128xf32, #tpu.memory_space<vmem>>
        %dma_wait3A_1652 = arith.constant 0 : i32
        %dma_wait3A_1653 = tpu.memref_slice %arg6[%scan3A_153, %dma_wait3A_1652] : memref<4x128xi32, #tpu.memory_space<vmem>> -> memref<1x128xi32, #tpu.memory_space<vmem>>
        %dma_wait3A_1654 = tpu.memref_squeeze %dma_wait3A_1653 : memref<1x128xi32, #tpu.memory_space<vmem>> -> memref<128xi32, #tpu.memory_space<vmem>>
        %dma_wait3A_1655 = arith.constant 0 : i32
        %dma_wait3A_1656 = arith.constant 0 : i32
        %dma_wait3A_1657 = tpu.memref_slice %arg2[%dma_wait3A_1655, %dma_wait3A_1656] : memref<100000x128xf32, #tpu.memory_space<hbm>> -> memref<100000x128xf32, #tpu.memory_space<hbm>>
        tpu.wait_indirect_dma semaphore(%arg11 : memref<!tpu.dma_semaphore, #tpu.memory_space<semaphore_mem>>) src(%dma_wait3A_1657 : memref<100000x128xf32, #tpu.memory_space<hbm>>) dst(%dma_wait3A_1651 : memref<128x128xf32, #tpu.memory_space<vmem>>)
      } else {
      }
      %eq3A_168 = arith.constant 24 : i32
      %eq3A_169 = arith.cmpi eq, %scan3A_160, %eq3A_168 : i32
      %convert_element_type3A_170 = arith.extui %eq3A_169 : i1 to i32
      %cond3A_171 = arith.constant 0 : i32
      %cond3A_172 = arith.cmpi ne, %convert_element_type3A_170, %cond3A_171 : i32
      scf.if %cond3A_172 {
        %dma_wait3A_1649 = arith.constant 384 : i32
        %dma_wait3A_1650 = arith.constant 0 : i32
        %dma_wait3A_1651 = tpu.memref_slice %arg7[%dma_wait3A_1649, %dma_wait3A_1650] : memref<512x128xf32, #tpu.memory_space<vmem>> -> memref<128x128xf32, #tpu.memory_space<vmem>>
        %dma_wait3A_1652 = arith.constant 0 : i32
        %dma_wait3A_1653 = tpu.memref_slice %arg6[%scan3A_154, %dma_wait3A_1652] : memref<4x128xi32, #tpu.memory_space<vmem>> -> memref<1x128xi32, #tpu.memory_space<vmem>>
        %dma_wait3A_1654 = tpu.memref_squeeze %dma_wait3A_1653 : memref<1x128xi32, #tpu.memory_space<vmem>> -> memref<128xi32, #tpu.memory_space<vmem>>
        %dma_wait3A_1655 = arith.constant 0 : i32
        %dma_wait3A_1656 = arith.constant 0 : i32
        %dma_wait3A_1657 = tpu.memref_slice %arg2[%dma_wait3A_1655, %dma_wait3A_1656] : memref<100000x128xf32, #tpu.memory_space<hbm>> -> memref<100000x128xf32, #tpu.memory_space<hbm>>
        tpu.wait_indirect_dma semaphore(%arg11 : memref<!tpu.dma_semaphore, #tpu.memory_space<semaphore_mem>>) src(%dma_wait3A_1657 : memref<100000x128xf32, #tpu.memory_space<hbm>>) dst(%dma_wait3A_1651 : memref<128x128xf32, #tpu.memory_space<vmem>>)
      } else {
      }
      %mul3A_173 = arith.constant 16 : i32
      %mul3A_174 = arith.muli %scan3A_160, %mul3A_173 : i32
      %add3A_175 = arith.constant 0 : i32
      %add3A_176 = arith.addi %mul3A_174, %add3A_175 : i32
      %add3A_177 = arith.constant 0 : i32
      %add3A_178 = arith.addi %add3A_176, %add3A_177 : i32
      %get3A_179 = arith.index_cast %add3A_178 : i32 to index
      %get3A_180 = arith.constant 0 : index
      %get3A_181 = tpu.vector_load %arg7[%get3A_179, %get3A_180] {strides = array<i32>} : memref<512x128xf32, #tpu.memory_space<vmem>>, vector<16xf32>,
      %add3A_182 = arith.constant 0 : i32
      %add3A_183 = arith.addi %mul3A_174, %add3A_182 : i32
      %add3A_184 = arith.constant 0 : i32
      %add3A_185 = arith.addi %add3A_183, %add3A_184 : i32
      %get3A_186 = arith.index_cast %add3A_185 : i32 to index
      %get3A_187 = arith.constant 16 : index
      %get3A_188 = tpu.vector_load %arg7[%get3A_186, %get3A_187] {strides = array<i32>} : memref<512x128xf32, #tpu.memory_space<vmem>>, vector<16xf32>,
      %pack3A_189 = tpu.pack_subelements %get3A_181, %get3A_188 {pack_format = #tpu.pack_format<interleaved>, positions = array<i32: 0, 1>} : vector<16xf32>, vector<16xf32> -> vector<32xbf16>
      %add3A_190 = arith.constant 0 : i32
      %add3A_191 = arith.addi %mul3A_174, %add3A_190 : i32
      %add3A_192 = arith.constant 1 : i32
      %add3A_193 = arith.addi %add3A_191, %add3A_192 : i32
      %get3A_194 = arith.index_cast %add3A_193 : i32 to index
      %get3A_195 = arith.constant 0 : index
      %get3A_196 = tpu.vector_load %arg7[%get3A_194, %get3A_195] {strides = array<i32>} : memref<512x128xf32, #tpu.memory_space<vmem>>, vector<16xf32>,
      %add3A_197 = arith.constant 0 : i32
      %add3A_198 = arith.addi %mul3A_174, %add3A_197 : i32
      %add3A_199 = arith.constant 1 : i32
      %add3A_200 = arith.addi %add3A_198, %add3A_199 : i32
      %get3A_201 = arith.index_cast %add3A_200 : i32 to index
      %get3A_202 = arith.constant 16 : index
      %get3A_203 = tpu.vector_load %arg7[%get3A_201, %get3A_202] {strides = array<i32>} : memref<512x128xf32, #tpu.memory_space<vmem>>, vector<16xf32>,
      %pack3A_204 = tpu.pack_subelements %get3A_196, %get3A_203 {pack_format = #tpu.pack_format<interleaved>, positions = array<i32: 0, 1>} : vector<16xf32>, vector<16xf32> -> vector<32xbf16>
      %add3A_205 = arith.constant 0 : i32
      %add3A_206 = arith.addi %mul3A_174, %add3A_205 : i32
      %add3A_207 = arith.constant 2 : i32
      %add3A_208 = arith.addi %add3A_206, %add3A_207 : i32
      %get3A_209 = arith.index_cast %add3A_208 : i32 to index
      %get3A_210 = arith.constant 0 : index
      %get3A_211 = tpu.vector_load %arg7[%get3A_209, %get3A_210] {strides = array<i32>} : memref<512x128xf32, #tpu.memory_space<vmem>>, vector<16xf32>,
      %add3A_212 = arith.constant 0 : i32
      %add3A_213 = arith.addi %mul3A_174, %add3A_212 : i32
      %add3A_214 = arith.constant 2 : i32
      %add3A_215 = arith.addi %add3A_213, %add3A_214 : i32
      %get3A_216 = arith.index_cast %add3A_215 : i32 to index
      %get3A_217 = arith.constant 16 : index
      %get3A_218 = tpu.vector_load %arg7[%get3A_216, %get3A_217] {strides = array<i32>} : memref<512x128xf32, #tpu.memory_space<vmem>>, vector<16xf32>,
      %pack3A_219 = tpu.pack_subelements %get3A_211, %get3A_218 {pack_format = #tpu.pack_format<interleaved>, positions = array<i32: 0, 1>} : vector<16xf32>, vector<16xf32> -> vector<32xbf16>
      %add3A_220 = arith.constant 0 : i32
      %add3A_221 = arith.addi %mul3A_174, %add3A_220 : i32
      %add3A_222 = arith.constant 3 : i32
      %add3A_223 = arith.addi %add3A_221, %add3A_222 : i32
      %get3A_224 = arith.index_cast %add3A_223 : i32 to index
      %get3A_225 = arith.constant 0 : index
      %get3A_226 = tpu.vector_load %arg7[%get3A_224, %get3A_225] {strides = array<i32>} : memref<512x128xf32, #tpu.memory_space<vmem>>, vector<16xf32>,
      %add3A_227 = arith.constant 0 : i32
      %add3A_228 = arith.addi %mul3A_174, %add3A_227 : i32
      %add3A_229 = arith.constant 3 : i32
      %add3A_230 = arith.addi %add3A_228, %add3A_229 : i32
      %get3A_231 = arith.index_cast %add3A_230 : i32 to index
      %get3A_232 = arith.constant 16 : index
      %get3A_233 = tpu.vector_load %arg7[%get3A_231, %get3A_232] {strides = array<i32>} : memref<512x128xf32, #tpu.memory_space<vmem>>, vector<16xf32>,
      %pack3A_234 = tpu.pack_subelements %get3A_226, %get3A_233 {pack_format = #tpu.pack_format<interleaved>, positions = array<i32: 0, 1>} : vector<16xf32>, vector<16xf32> -> vector<32xbf16>
      %add3A_235 = arith.constant 0 : i32
      %add3A_236 = arith.addi %mul3A_174, %add3A_235 : i32
      %add3A_237 = arith.constant 4 : i32
      %add3A_238 = arith.addi %add3A_236, %add3A_237 : i32
      %get3A_239 = arith.index_cast %add3A_238 : i32 to index
      %get3A_240 = arith.constant 0 : index
      %get3A_241 = tpu.vector_load %arg7[%get3A_239, %get3A_240] {strides = array<i32>} : memref<512x128xf32, #tpu.memory_space<vmem>>, vector<16xf32>,
      %add3A_242 = arith.constant 0 : i32
      %add3A_243 = arith.addi %mul3A_174, %add3A_242 : i32
      %add3A_244 = arith.constant 4 : i32
      %add3A_245 = arith.addi %add3A_243, %add3A_244 : i32
      %get3A_246 = arith.index_cast %add3A_245 : i32 to index
      %get3A_247 = arith.constant 16 : index
      %get3A_248 = tpu.vector_load %arg7[%get3A_246, %get3A_247] {strides = array<i32>} : memref<512x128xf32, #tpu.memory_space<vmem>>, vector<16xf32>,
      %pack3A_249 = tpu.pack_subelements %get3A_241, %get3A_248 {pack_format = #tpu.pack_format<interleaved>, positions = array<i32: 0, 1>} : vector<16xf32>, vector<16xf32> -> vector<32xbf16>
      %add3A_250 = arith.constant 0 : i32
      %add3A_251 = arith.addi %mul3A_174, %add3A_250 : i32
      %add3A_252 = arith.constant 5 : i32
      %add3A_253 = arith.addi %add3A_251, %add3A_252 : i32
      %get3A_254 = arith.index_cast %add3A_253 : i32 to index
      %get3A_255 = arith.constant 0 : index
      %get3A_256 = tpu.vector_load %arg7[%get3A_254, %get3A_255] {strides = array<i32>} : memref<512x128xf32, #tpu.memory_space<vmem>>, vector<16xf32>,
      %add3A_257 = arith.constant 0 : i32
      %add3A_258 = arith.addi %mul3A_174, %add3A_257 : i32
      %add3A_259 = arith.constant 5 : i32
      %add3A_260 = arith.addi %add3A_258, %add3A_259 : i32
      %get3A_261 = arith.index_cast %add3A_260 : i32 to index
      %get3A_262 = arith.constant 16 : index
      %get3A_263 = tpu.vector_load %arg7[%get3A_261, %get3A_262] {strides = array<i32>} : memref<512x128xf32, #tpu.memory_space<vmem>>, vector<16xf32>,
      %pack3A_264 = tpu.pack_subelements %get3A_256, %get3A_263 {pack_format = #tpu.pack_format<interleaved>, positions = array<i32: 0, 1>} : vector<16xf32>, vector<16xf32> -> vector<32xbf16>
      %add3A_265 = arith.constant 0 : i32
      %add3A_266 = arith.addi %mul3A_174, %add3A_265 : i32
      %add3A_267 = arith.constant 6 : i32
      %add3A_268 = arith.addi %add3A_266, %add3A_267 : i32
      %get3A_269 = arith.index_cast %add3A_268 : i32 to index
      %get3A_270 = arith.constant 0 : index
      %get3A_271 = tpu.vector_load %arg7[%get3A_269, %get3A_270] {strides = array<i32>} : memref<512x128xf32, #tpu.memory_space<vmem>>, vector<16xf32>,
      %add3A_272 = arith.constant 0 : i32
      %add3A_273 = arith.addi %mul3A_174, %add3A_272 : i32
      %add3A_274 = arith.constant 6 : i32
      %add3A_275 = arith.addi %add3A_273, %add3A_274 : i32
      %get3A_276 = arith.index_cast %add3A_275 : i32 to index
      %get3A_277 = arith.constant 16 : index
      %get3A_278 = tpu.vector_load %arg7[%get3A_276, %get3A_277] {strides = array<i32>} : memref<512x128xf32, #tpu.memory_space<vmem>>, vector<16xf32>,
      %pack3A_279 = tpu.pack_subelements %get3A_271, %get3A_278 {pack_format = #tpu.pack_format<interleaved>, positions = array<i32: 0, 1>} : vector<16xf32>, vector<16xf32> -> vector<32xbf16>
      %add3A_280 = arith.constant 0 : i32
      %add3A_281 = arith.addi %mul3A_174, %add3A_280 : i32
      %add3A_282 = arith.constant 7 : i32
      %add3A_283 = arith.addi %add3A_281, %add3A_282 : i32
      %get3A_284 = arith.index_cast %add3A_283 : i32 to index
      %get3A_285 = arith.constant 0 : index
      %get3A_286 = tpu.vector_load %arg7[%get3A_284, %get3A_285] {strides = array<i32>} : memref<512x128xf32, #tpu.memory_space<vmem>>, vector<16xf32>,
      %add3A_287 = arith.constant 0 : i32
      %add3A_288 = arith.addi %mul3A_174, %add3A_287 : i32
      %add3A_289 = arith.constant 7 : i32
      %add3A_290 = arith.addi %add3A_288, %add3A_289 : i32
      %get3A_291 = arith.index_cast %add3A_290 : i32 to index
      %get3A_292 = arith.constant 16 : index
      %get3A_293 = tpu.vector_load %arg7[%get3A_291, %get3A_292] {strides = array<i32>} : memref<512x128xf32, #tpu.memory_space<vmem>>, vector<16xf32>,
      %pack3A_294 = tpu.pack_subelements %get3A_286, %get3A_293 {pack_format = #tpu.pack_format<interleaved>, positions = array<i32: 0, 1>} : vector<16xf32>, vector<16xf32> -> vector<32xbf16>
      %mul3A_295 = arith.mulf %pack3A_189, %pack3A : vector<32xbf16>
      %mul3A_296 = arith.mulf %pack3A_204, %pack3A : vector<32xbf16>
      %mul3A_297 = arith.mulf %pack3A_219, %pack3A : vector<32xbf16>
      %mul3A_298 = arith.mulf %pack3A_234, %pack3A : vector<32xbf16>
      %mul3A_299 = arith.mulf %pack3A_249, %pack3A : vector<32xbf16>
      %mul3A_300 = arith.mulf %pack3A_264, %pack3A : vector<32xbf16>
      %mul3A_301 = arith.mulf %pack3A_279, %pack3A : vector<32xbf16>
      %mul3A_302 = arith.mulf %pack3A_294, %pack3A : vector<32xbf16>
      %mul3A_303 = arith.mulf %pack3A_189, %pack3A_189 : vector<32xbf16>
      %mul3A_304 = arith.mulf %pack3A_204, %pack3A_204 : vector<32xbf16>
      %mul3A_305 = arith.mulf %pack3A_219, %pack3A_219 : vector<32xbf16>
      %mul3A_306 = arith.mulf %pack3A_234, %pack3A_234 : vector<32xbf16>
      %mul3A_307 = arith.mulf %pack3A_249, %pack3A_249 : vector<32xbf16>
      %mul3A_308 = arith.mulf %pack3A_264, %pack3A_264 : vector<32xbf16>
      %mul3A_309 = arith.mulf %pack3A_279, %pack3A_279 : vector<32xbf16>
      %mul3A_310 = arith.mulf %pack3A_294, %pack3A_294 : vector<32xbf16>
      %add3A_311 = arith.constant 0 : i32
      %add3A_312 = arith.addi %mul3A_174, %add3A_311 : i32
      %add3A_313 = arith.constant 0 : i32
      %add3A_314 = arith.addi %add3A_312, %add3A_313 : i32
      %get3A_315 = arith.index_cast %add3A_314 : i32 to index
      %get3A_316 = arith.constant 32 : index
      %get3A_317 = tpu.vector_load %arg7[%get3A_315, %get3A_316] {strides = array<i32>} : memref<512x128xf32, #tpu.memory_space<vmem>>, vector<16xf32>,
      %add3A_318 = arith.constant 0 : i32
      %add3A_319 = arith.addi %mul3A_174, %add3A_318 : i32
      %add3A_320 = arith.constant 0 : i32
      %add3A_321 = arith.addi %add3A_319, %add3A_320 : i32
      %get3A_322 = arith.index_cast %add3A_321 : i32 to index
      %get3A_323 = arith.constant 48 : index
      %get3A_324 = tpu.vector_load %arg7[%get3A_322, %get3A_323] {strides = array<i32>} : memref<512x128xf32, #tpu.memory_space<vmem>>, vector<16xf32>,
      %pack3A_325 = tpu.pack_subelements %get3A_317, %get3A_324 {pack_format = #tpu.pack_format<interleaved>, positions = array<i32: 0, 1>} : vector<16xf32>, vector<16xf32> -> vector<32xbf16>
      %add3A_326 = arith.constant 0 : i32
      %add3A_327 = arith.addi %mul3A_174, %add3A_326 : i32
      %add3A_328 = arith.constant 1 : i32
      %add3A_329 = arith.addi %add3A_327, %add3A_328 : i32
      %get3A_330 = arith.index_cast %add3A_329 : i32 to index
      %get3A_331 = arith.constant 32 : index
      %get3A_332 = tpu.vector_load %arg7[%get3A_330, %get3A_331] {strides = array<i32>} : memref<512x128xf32, #tpu.memory_space<vmem>>, vector<16xf32>,
      %add3A_333 = arith.constant 0 : i32
      %add3A_334 = arith.addi %mul3A_174, %add3A_333 : i32
      %add3A_335 = arith.constant 1 : i32
      %add3A_336 = arith.addi %add3A_334, %add3A_335 : i32
      %get3A_337 = arith.index_cast %add3A_336 : i32 to index
      %get3A_338 = arith.constant 48 : index
      %get3A_339 = tpu.vector_load %arg7[%get3A_337, %get3A_338] {strides = array<i32>} : memref<512x128xf32, #tpu.memory_space<vmem>>, vector<16xf32>,
      %pack3A_340 = tpu.pack_subelements %get3A_332, %get3A_339 {pack_format = #tpu.pack_format<interleaved>, positions = array<i32: 0, 1>} : vector<16xf32>, vector<16xf32> -> vector<32xbf16>
      %add3A_341 = arith.constant 0 : i32
      %add3A_342 = arith.addi %mul3A_174, %add3A_341 : i32
      %add3A_343 = arith.constant 2 : i32
      %add3A_344 = arith.addi %add3A_342, %add3A_343 : i32
      %get3A_345 = arith.index_cast %add3A_344 : i32 to index
      %get3A_346 = arith.constant 32 : index
      %get3A_347 = tpu.vector_load %arg7[%get3A_345, %get3A_346] {strides = array<i32>} : memref<512x128xf32, #tpu.memory_space<vmem>>, vector<16xf32>,
      %add3A_348 = arith.constant 0 : i32
      %add3A_349 = arith.addi %mul3A_174, %add3A_348 : i32
      %add3A_350 = arith.constant 2 : i32
      %add3A_351 = arith.addi %add3A_349, %add3A_350 : i32
      %get3A_352 = arith.index_cast %add3A_351 : i32 to index
      %get3A_353 = arith.constant 48 : index
      %get3A_354 = tpu.vector_load %arg7[%get3A_352, %get3A_353] {strides = array<i32>} : memref<512x128xf32, #tpu.memory_space<vmem>>, vector<16xf32>,
      %pack3A_355 = tpu.pack_subelements %get3A_347, %get3A_354 {pack_format = #tpu.pack_format<interleaved>, positions = array<i32: 0, 1>} : vector<16xf32>, vector<16xf32> -> vector<32xbf16>
      %add3A_356 = arith.constant 0 : i32
      %add3A_357 = arith.addi %mul3A_174, %add3A_356 : i32
      %add3A_358 = arith.constant 3 : i32
      %add3A_359 = arith.addi %add3A_357, %add3A_358 : i32
      %get3A_360 = arith.index_cast %add3A_359 : i32 to index
      %get3A_361 = arith.constant 32 : index
      %get3A_362 = tpu.vector_load %arg7[%get3A_360, %get3A_361] {strides = array<i32>} : memref<512x128xf32, #tpu.memory_space<vmem>>, vector<16xf32>,
      %add3A_363 = arith.constant 0 : i32
      %add3A_364 = arith.addi %mul3A_174, %add3A_363 : i32
      %add3A_365 = arith.constant 3 : i32
      %add3A_366 = arith.addi %add3A_364, %add3A_365 : i32
      %get3A_367 = arith.index_cast %add3A_366 : i32 to index
      %get3A_368 = arith.constant 48 : index
      %get3A_369 = tpu.vector_load %arg7[%get3A_367, %get3A_368] {strides = array<i32>} : memref<512x128xf32, #tpu.memory_space<vmem>>, vector<16xf32>,
      %pack3A_370 = tpu.pack_subelements %get3A_362, %get3A_369 {pack_format = #tpu.pack_format<interleaved>, positions = array<i32: 0, 1>} : vector<16xf32>, vector<16xf32> -> vector<32xbf16>
      %add3A_371 = arith.constant 0 : i32
      %add3A_372 = arith.addi %mul3A_174, %add3A_371 : i32
      %add3A_373 = arith.constant 4 : i32
      %add3A_374 = arith.addi %add3A_372, %add3A_373 : i32
      %get3A_375 = arith.index_cast %add3A_374 : i32 to index
      %get3A_376 = arith.constant 32 : index
      %get3A_377 = tpu.vector_load %arg7[%get3A_375, %get3A_376] {strides = array<i32>} : memref<512x128xf32, #tpu.memory_space<vmem>>, vector<16xf32>,
      %add3A_378 = arith.constant 0 : i32
      %add3A_379 = arith.addi %mul3A_174, %add3A_378 : i32
      %add3A_380 = arith.constant 4 : i32
      %add3A_381 = arith.addi %add3A_379, %add3A_380 : i32
      %get3A_382 = arith.index_cast %add3A_381 : i32 to index
      %get3A_383 = arith.constant 48 : index
      %get3A_384 = tpu.vector_load %arg7[%get3A_382, %get3A_383] {strides = array<i32>} : memref<512x128xf32, #tpu.memory_space<vmem>>, vector<16xf32>,
      %pack3A_385 = tpu.pack_subelements %get3A_377, %get3A_384 {pack_format = #tpu.pack_format<interleaved>, positions = array<i32: 0, 1>} : vector<16xf32>, vector<16xf32> -> vector<32xbf16>
      %add3A_386 = arith.constant 0 : i32
      %add3A_387 = arith.addi %mul3A_174, %add3A_386 : i32
      %add3A_388 = arith.constant 5 : i32
      %add3A_389 = arith.addi %add3A_387, %add3A_388 : i32
      %get3A_390 = arith.index_cast %add3A_389 : i32 to index
      %get3A_391 = arith.constant 32 : index
      %get3A_392 = tpu.vector_load %arg7[%get3A_390, %get3A_391] {strides = array<i32>} : memref<512x128xf32, #tpu.memory_space<vmem>>, vector<16xf32>,
      %add3A_393 = arith.constant 0 : i32
      %add3A_394 = arith.addi %mul3A_174, %add3A_393 : i32
      %add3A_395 = arith.constant 5 : i32
      %add3A_396 = arith.addi %add3A_394, %add3A_395 : i32
      %get3A_397 = arith.index_cast %add3A_396 : i32 to index
      %get3A_398 = arith.constant 48 : index
      %get3A_399 = tpu.vector_load %arg7[%get3A_397, %get3A_398] {strides = array<i32>} : memref<512x128xf32, #tpu.memory_space<vmem>>, vector<16xf32>,
      %pack3A_400 = tpu.pack_subelements %get3A_392, %get3A_399 {pack_format = #tpu.pack_format<interleaved>, positions = array<i32: 0, 1>} : vector<16xf32>, vector<16xf32> -> vector<32xbf16>
      %add3A_401 = arith.constant 0 : i32
      %add3A_402 = arith.addi %mul3A_174, %add3A_401 : i32
      %add3A_403 = arith.constant 6 : i32
      %add3A_404 = arith.addi %add3A_402, %add3A_403 : i32
      %get3A_405 = arith.index_cast %add3A_404 : i32 to index
      %get3A_406 = arith.constant 32 : index
      %get3A_407 = tpu.vector_load %arg7[%get3A_405, %get3A_406] {strides = array<i32>} : memref<512x128xf32, #tpu.memory_space<vmem>>, vector<16xf32>,
      %add3A_408 = arith.constant 0 : i32
      %add3A_409 = arith.addi %mul3A_174, %add3A_408 : i32
      %add3A_410 = arith.constant 6 : i32
      %add3A_411 = arith.addi %add3A_409, %add3A_410 : i32
      %get3A_412 = arith.index_cast %add3A_411 : i32 to index
      %get3A_413 = arith.constant 48 : index
      %get3A_414 = tpu.vector_load %arg7[%get3A_412, %get3A_413] {strides = array<i32>} : memref<512x128xf32, #tpu.memory_space<vmem>>, vector<16xf32>,
      %pack3A_415 = tpu.pack_subelements %get3A_407, %get3A_414 {pack_format = #tpu.pack_format<interleaved>, positions = array<i32: 0, 1>} : vector<16xf32>, vector<16xf32> -> vector<32xbf16>
      %add3A_416 = arith.constant 0 : i32
      %add3A_417 = arith.addi %mul3A_174, %add3A_416 : i32
      %add3A_418 = arith.constant 7 : i32
      %add3A_419 = arith.addi %add3A_417, %add3A_418 : i32
      %get3A_420 = arith.index_cast %add3A_419 : i32 to index
      %get3A_421 = arith.constant 32 : index
      %get3A_422 = tpu.vector_load %arg7[%get3A_420, %get3A_421] {strides = array<i32>} : memref<512x128xf32, #tpu.memory_space<vmem>>, vector<16xf32>,
      %add3A_423 = arith.constant 0 : i32
      %add3A_424 = arith.addi %mul3A_174, %add3A_423 : i32
      %add3A_425 = arith.constant 7 : i32
      %add3A_426 = arith.addi %add3A_424, %add3A_425 : i32
      %get3A_427 = arith.index_cast %add3A_426 : i32 to index
      %get3A_428 = arith.constant 48 : index
      %get3A_429 = tpu.vector_load %arg7[%get3A_427, %get3A_428] {strides = array<i32>} : memref<512x128xf32, #tpu.memory_space<vmem>>, vector<16xf32>,
      %pack3A_430 = tpu.pack_subelements %get3A_422, %get3A_429 {pack_format = #tpu.pack_format<interleaved>, positions = array<i32: 0, 1>} : vector<16xf32>, vector<16xf32> -> vector<32xbf16>
      %mul3A_431 = arith.mulf %pack3A_325, %pack3A_136 : vector<32xbf16>
      %add3A_432 = arith.addf %mul3A_295, %mul3A_431 : vector<32xbf16>
      %mul3A_433 = arith.mulf %pack3A_325, %pack3A_325 : vector<32xbf16>
      %add3A_434 = arith.addf %mul3A_303, %mul3A_433 : vector<32xbf16>
      %mul3A_435 = arith.mulf %pack3A_340, %pack3A_136 : vector<32xbf16>
      %add3A_436 = arith.addf %mul3A_296, %mul3A_435 : vector<32xbf16>
      %mul3A_437 = arith.mulf %pack3A_340, %pack3A_340 : vector<32xbf16>
      %add3A_438 = arith.addf %mul3A_304, %mul3A_437 : vector<32xbf16>
      %mul3A_439 = arith.mulf %pack3A_355, %pack3A_136 : vector<32xbf16>
      %add3A_440 = arith.addf %mul3A_297, %mul3A_439 : vector<32xbf16>
      %mul3A_441 = arith.mulf %pack3A_355, %pack3A_355 : vector<32xbf16>
      %add3A_442 = arith.addf %mul3A_305, %mul3A_441 : vector<32xbf16>
      %mul3A_443 = arith.mulf %pack3A_370, %pack3A_136 : vector<32xbf16>
      %add3A_444 = arith.addf %mul3A_298, %mul3A_443 : vector<32xbf16>
      %mul3A_445 = arith.mulf %pack3A_370, %pack3A_370 : vector<32xbf16>
      %add3A_446 = arith.addf %mul3A_306, %mul3A_445 : vector<32xbf16>
      %mul3A_447 = arith.mulf %pack3A_385, %pack3A_136 : vector<32xbf16>
      %add3A_448 = arith.addf %mul3A_299, %mul3A_447 : vector<32xbf16>
      %mul3A_449 = arith.mulf %pack3A_385, %pack3A_385 : vector<32xbf16>
      %add3A_450 = arith.addf %mul3A_307, %mul3A_449 : vector<32xbf16>
      %mul3A_451 = arith.mulf %pack3A_400, %pack3A_136 : vector<32xbf16>
      %add3A_452 = arith.addf %mul3A_300, %mul3A_451 : vector<32xbf16>
      %mul3A_453 = arith.mulf %pack3A_400, %pack3A_400 : vector<32xbf16>
      %add3A_454 = arith.addf %mul3A_308, %mul3A_453 : vector<32xbf16>
      %mul3A_455 = arith.mulf %pack3A_415, %pack3A_136 : vector<32xbf16>
      %add3A_456 = arith.addf %mul3A_301, %mul3A_455 : vector<32xbf16>
      %mul3A_457 = arith.mulf %pack3A_415, %pack3A_415 : vector<32xbf16>
      %add3A_458 = arith.addf %mul3A_309, %mul3A_457 : vector<32xbf16>
      %mul3A_459 = arith.mulf %pack3A_430, %pack3A_136 : vector<32xbf16>
      %add3A_460 = arith.addf %mul3A_302, %mul3A_459 : vector<32xbf16>
      %mul3A_461 = arith.mulf %pack3A_430, %pack3A_430 : vector<32xbf16>
      %add3A_462 = arith.addf %mul3A_310, %mul3A_461 : vector<32xbf16>
      %add3A_463 = arith.constant 0 : i32
      %add3A_464 = arith.addi %mul3A_174, %add3A_463 : i32
      %add3A_465 = arith.constant 0 : i32
      %add3A_466 = arith.addi %add3A_464, %add3A_465 : i32
      %get3A_467 = arith.index_cast %add3A_466 : i32 to index
      %get3A_468 = arith.constant 64 : index
      %get3A_469 = tpu.vector_load %arg7[%get3A_467, %get3A_468] {strides = array<i32>} : memref<512x128xf32, #tpu.memory_space<vmem>>, vector<16xf32>,
      %add3A_470 = arith.constant 0 : i32
      %add3A_471 = arith.addi %mul3A_174, %add3A_470 : i32
      %add3A_472 = arith.constant 0 : i32
      %add3A_473 = arith.addi %add3A_471, %add3A_472 : i32
      %get3A_474 = arith.index_cast %add3A_473 : i32 to index
      %get3A_475 = arith.constant 80 : index
      %get3A_476 = tpu.vector_load %arg7[%get3A_474, %get3A_475] {strides = array<i32>} : memref<512x128xf32, #tpu.memory_space<vmem>>, vector<16xf32>,
      %pack3A_477 = tpu.pack_subelements %get3A_469, %get3A_476 {pack_format = #tpu.pack_format<interleaved>, positions = array<i32: 0, 1>} : vector<16xf32>, vector<16xf32> -> vector<32xbf16>
      %add3A_478 = arith.constant 0 : i32
      %add3A_479 = arith.addi %mul3A_174, %add3A_478 : i32
      %add3A_480 = arith.constant 1 : i32
      %add3A_481 = arith.addi %add3A_479, %add3A_480 : i32
      %get3A_482 = arith.index_cast %add3A_481 : i32 to index
      %get3A_483 = arith.constant 64 : index
      %get3A_484 = tpu.vector_load %arg7[%get3A_482, %get3A_483] {strides = array<i32>} : memref<512x128xf32, #tpu.memory_space<vmem>>, vector<16xf32>,
      %add3A_485 = arith.constant 0 : i32
      %add3A_486 = arith.addi %mul3A_174, %add3A_485 : i32
      %add3A_487 = arith.constant 1 : i32
      %add3A_488 = arith.addi %add3A_486, %add3A_487 : i32
      %get3A_489 = arith.index_cast %add3A_488 : i32 to index
      %get3A_490 = arith.constant 80 : index
      %get3A_491 = tpu.vector_load %arg7[%get3A_489, %get3A_490] {strides = array<i32>} : memref<512x128xf32, #tpu.memory_space<vmem>>, vector<16xf32>,
      %pack3A_492 = tpu.pack_subelements %get3A_484, %get3A_491 {pack_format = #tpu.pack_format<interleaved>, positions = array<i32: 0, 1>} : vector<16xf32>, vector<16xf32> -> vector<32xbf16>
      %add3A_493 = arith.constant 0 : i32
      %add3A_494 = arith.addi %mul3A_174, %add3A_493 : i32
      %add3A_495 = arith.constant 2 : i32
      %add3A_496 = arith.addi %add3A_494, %add3A_495 : i32
      %get3A_497 = arith.index_cast %add3A_496 : i32 to index
      %get3A_498 = arith.constant 64 : index
      %get3A_499 = tpu.vector_load %arg7[%get3A_497, %get3A_498] {strides = array<i32>} : memref<512x128xf32, #tpu.memory_space<vmem>>, vector<16xf32>,
      %add3A_500 = arith.constant 0 : i32
      %add3A_501 = arith.addi %mul3A_174, %add3A_500 : i32
      %add3A_502 = arith.constant 2 : i32
      %add3A_503 = arith.addi %add3A_501, %add3A_502 : i32
      %get3A_504 = arith.index_cast %add3A_503 : i32 to index
      %get3A_505 = arith.constant 80 : index
      %get3A_506 = tpu.vector_load %arg7[%get3A_504, %get3A_505] {strides = array<i32>} : memref<512x128xf32, #tpu.memory_space<vmem>>, vector<16xf32>,
      %pack3A_507 = tpu.pack_subelements %get3A_499, %get3A_506 {pack_format = #tpu.pack_format<interleaved>, positions = array<i32: 0, 1>} : vector<16xf32>, vector<16xf32> -> vector<32xbf16>
      %add3A_508 = arith.constant 0 : i32
      %add3A_509 = arith.addi %mul3A_174, %add3A_508 : i32
      %add3A_510 = arith.constant 3 : i32
      %add3A_511 = arith.addi %add3A_509, %add3A_510 : i32
      %get3A_512 = arith.index_cast %add3A_511 : i32 to index
      %get3A_513 = arith.constant 64 : index
      %get3A_514 = tpu.vector_load %arg7[%get3A_512, %get3A_513] {strides = array<i32>} : memref<512x128xf32, #tpu.memory_space<vmem>>, vector<16xf32>,
      %add3A_515 = arith.constant 0 : i32
      %add3A_516 = arith.addi %mul3A_174, %add3A_515 : i32
      %add3A_517 = arith.constant 3 : i32
      %add3A_518 = arith.addi %add3A_516, %add3A_517 : i32
      %get3A_519 = arith.index_cast %add3A_518 : i32 to index
      %get3A_520 = arith.constant 80 : index
      %get3A_521 = tpu.vector_load %arg7[%get3A_519, %get3A_520] {strides = array<i32>} : memref<512x128xf32, #tpu.memory_space<vmem>>, vector<16xf32>,
      %pack3A_522 = tpu.pack_subelements %get3A_514, %get3A_521 {pack_format = #tpu.pack_format<interleaved>, positions = array<i32: 0, 1>} : vector<16xf32>, vector<16xf32> -> vector<32xbf16>
      %add3A_523 = arith.constant 0 : i32
      %add3A_524 = arith.addi %mul3A_174, %add3A_523 : i32
      %add3A_525 = arith.constant 4 : i32
      %add3A_526 = arith.addi %add3A_524, %add3A_525 : i32
      %get3A_527 = arith.index_cast %add3A_526 : i32 to index
      %get3A_528 = arith.constant 64 : index
      %get3A_529 = tpu.vector_load %arg7[%get3A_527, %get3A_528] {strides = array<i32>} : memref<512x128xf32, #tpu.memory_space<vmem>>, vector<16xf32>,
      %add3A_530 = arith.constant 0 : i32
      %add3A_531 = arith.addi %mul3A_174, %add3A_530 : i32
      %add3A_532 = arith.constant 4 : i32
      %add3A_533 = arith.addi %add3A_531, %add3A_532 : i32
      %get3A_534 = arith.index_cast %add3A_533 : i32 to index
      %get3A_535 = arith.constant 80 : index
      %get3A_536 = tpu.vector_load %arg7[%get3A_534, %get3A_535] {strides = array<i32>} : memref<512x128xf32, #tpu.memory_space<vmem>>, vector<16xf32>,
      %pack3A_537 = tpu.pack_subelements %get3A_529, %get3A_536 {pack_format = #tpu.pack_format<interleaved>, positions = array<i32: 0, 1>} : vector<16xf32>, vector<16xf32> -> vector<32xbf16>
      %add3A_538 = arith.constant 0 : i32
      %add3A_539 = arith.addi %mul3A_174, %add3A_538 : i32
      %add3A_540 = arith.constant 5 : i32
      %add3A_541 = arith.addi %add3A_539, %add3A_540 : i32
      %get3A_542 = arith.index_cast %add3A_541 : i32 to index
      %get3A_543 = arith.constant 64 : index
      %get3A_544 = tpu.vector_load %arg7[%get3A_542, %get3A_543] {strides = array<i32>} : memref<512x128xf32, #tpu.memory_space<vmem>>, vector<16xf32>,
      %add3A_545 = arith.constant 0 : i32
      %add3A_546 = arith.addi %mul3A_174, %add3A_545 : i32
      %add3A_547 = arith.constant 5 : i32
      %add3A_548 = arith.addi %add3A_546, %add3A_547 : i32
      %get3A_549 = arith.index_cast %add3A_548 : i32 to index
      %get3A_550 = arith.constant 80 : index
      %get3A_551 = tpu.vector_load %arg7[%get3A_549, %get3A_550] {strides = array<i32>} : memref<512x128xf32, #tpu.memory_space<vmem>>, vector<16xf32>,
      %pack3A_552 = tpu.pack_subelements %get3A_544, %get3A_551 {pack_format = #tpu.pack_format<interleaved>, positions = array<i32: 0, 1>} : vector<16xf32>, vector<16xf32> -> vector<32xbf16>
      %add3A_553 = arith.constant 0 : i32
      %add3A_554 = arith.addi %mul3A_174, %add3A_553 : i32
      %add3A_555 = arith.constant 6 : i32
      %add3A_556 = arith.addi %add3A_554, %add3A_555 : i32
      %get3A_557 = arith.index_cast %add3A_556 : i32 to index
      %get3A_558 = arith.constant 64 : index
      %get3A_559 = tpu.vector_load %arg7[%get3A_557, %get3A_558] {strides = array<i32>} : memref<512x128xf32, #tpu.memory_space<vmem>>, vector<16xf32>,
      %add3A_560 = arith.constant 0 : i32
      %add3A_561 = arith.addi %mul3A_174, %add3A_560 : i32
      %add3A_562 = arith.constant 6 : i32
      %add3A_563 = arith.addi %add3A_561, %add3A_562 : i32
      %get3A_564 = arith.index_cast %add3A_563 : i32 to index
      %get3A_565 = arith.constant 80 : index
      %get3A_566 = tpu.vector_load %arg7[%get3A_564, %get3A_565] {strides = array<i32>} : memref<512x128xf32, #tpu.memory_space<vmem>>, vector<16xf32>,
      %pack3A_567 = tpu.pack_subelements %get3A_559, %get3A_566 {pack_format = #tpu.pack_format<interleaved>, positions = array<i32: 0, 1>} : vector<16xf32>, vector<16xf32> -> vector<32xbf16>
      %add3A_568 = arith.constant 0 : i32
      %add3A_569 = arith.addi %mul3A_174, %add3A_568 : i32
      %add3A_570 = arith.constant 7 : i32
      %add3A_571 = arith.addi %add3A_569, %add3A_570 : i32
      %get3A_572 = arith.index_cast %add3A_571 : i32 to index
      %get3A_573 = arith.constant 64 : index
      %get3A_574 = tpu.vector_load %arg7[%get3A_572, %get3A_573] {strides = array<i32>} : memref<512x128xf32, #tpu.memory_space<vmem>>, vector<16xf32>,
      %add3A_575 = arith.constant 0 : i32
      %add3A_576 = arith.addi %mul3A_174, %add3A_575 : i32
      %add3A_577 = arith.constant 7 : i32
      %add3A_578 = arith.addi %add3A_576, %add3A_577 : i32
      %get3A_579 = arith.index_cast %add3A_578 : i32 to index
      %get3A_580 = arith.constant 80 : index
      %get3A_581 = tpu.vector_load %arg7[%get3A_579, %get3A_580] {strides = array<i32>} : memref<512x128xf32, #tpu.memory_space<vmem>>, vector<16xf32>,
      %pack3A_582 = tpu.pack_subelements %get3A_574, %get3A_581 {pack_format = #tpu.pack_format<interleaved>, positions = array<i32: 0, 1>} : vector<16xf32>, vector<16xf32> -> vector<32xbf16>
      %mul3A_583 = arith.mulf %pack3A_477, %pack3A_137 : vector<32xbf16>
      %add3A_584 = arith.addf %add3A_432, %mul3A_583 : vector<32xbf16>
      %mul3A_585 = arith.mulf %pack3A_477, %pack3A_477 : vector<32xbf16>
      %add3A_586 = arith.addf %add3A_434, %mul3A_585 : vector<32xbf16>
      %mul3A_587 = arith.mulf %pack3A_492, %pack3A_137 : vector<32xbf16>
      %add3A_588 = arith.addf %add3A_436, %mul3A_587 : vector<32xbf16>
      %mul3A_589 = arith.mulf %pack3A_492, %pack3A_492 : vector<32xbf16>
      %add3A_590 = arith.addf %add3A_438, %mul3A_589 : vector<32xbf16>
      %mul3A_591 = arith.mulf %pack3A_507, %pack3A_137 : vector<32xbf16>
      %add3A_592 = arith.addf %add3A_440, %mul3A_591 : vector<32xbf16>
      %mul3A_593 = arith.mulf %pack3A_507, %pack3A_507 : vector<32xbf16>
      %add3A_594 = arith.addf %add3A_442, %mul3A_593 : vector<32xbf16>
      %mul3A_595 = arith.mulf %pack3A_522, %pack3A_137 : vector<32xbf16>
      %add3A_596 = arith.addf %add3A_444, %mul3A_595 : vector<32xbf16>
      %mul3A_597 = arith.mulf %pack3A_522, %pack3A_522 : vector<32xbf16>
      %add3A_598 = arith.addf %add3A_446, %mul3A_597 : vector<32xbf16>
      %mul3A_599 = arith.mulf %pack3A_537, %pack3A_137 : vector<32xbf16>
      %add3A_600 = arith.addf %add3A_448, %mul3A_599 : vector<32xbf16>
      %mul3A_601 = arith.mulf %pack3A_537, %pack3A_537 : vector<32xbf16>
      %add3A_602 = arith.addf %add3A_450, %mul3A_601 : vector<32xbf16>
      %mul3A_603 = arith.mulf %pack3A_552, %pack3A_137 : vector<32xbf16>
      %add3A_604 = arith.addf %add3A_452, %mul3A_603 : vector<32xbf16>
      %mul3A_605 = arith.mulf %pack3A_552, %pack3A_552 : vector<32xbf16>
      %add3A_606 = arith.addf %add3A_454, %mul3A_605 : vector<32xbf16>
      %mul3A_607 = arith.mulf %pack3A_567, %pack3A_137 : vector<32xbf16>
      %add3A_608 = arith.addf %add3A_456, %mul3A_607 : vector<32xbf16>
      %mul3A_609 = arith.mulf %pack3A_567, %pack3A_567 : vector<32xbf16>
      %add3A_610 = arith.addf %add3A_458, %mul3A_609 : vector<32xbf16>
      %mul3A_611 = arith.mulf %pack3A_582, %pack3A_137 : vector<32xbf16>
      %add3A_612 = arith.addf %add3A_460, %mul3A_611 : vector<32xbf16>
      %mul3A_613 = arith.mulf %pack3A_582, %pack3A_582 : vector<32xbf16>
      %add3A_614 = arith.addf %add3A_462, %mul3A_613 : vector<32xbf16>
      %add3A_615 = arith.constant 0 : i32
      %add3A_616 = arith.addi %mul3A_174, %add3A_615 : i32
      %add3A_617 = arith.constant 0 : i32
      %add3A_618 = arith.addi %add3A_616, %add3A_617 : i32
      %get3A_619 = arith.index_cast %add3A_618 : i32 to index
      %get3A_620 = arith.constant 96 : index
      %get3A_621 = tpu.vector_load %arg7[%get3A_619, %get3A_620] {strides = array<i32>} : memref<512x128xf32, #tpu.memory_space<vmem>>, vector<16xf32>,
      %add3A_622 = arith.constant 0 : i32
      %add3A_623 = arith.addi %mul3A_174, %add3A_622 : i32
      %add3A_624 = arith.constant 0 : i32
      %add3A_625 = arith.addi %add3A_623, %add3A_624 : i32
      %get3A_626 = arith.index_cast %add3A_625 : i32 to index
      %get3A_627 = arith.constant 112 : index
      %get3A_628 = tpu.vector_load %arg7[%get3A_626, %get3A_627] {strides = array<i32>} : memref<512x128xf32, #tpu.memory_space<vmem>>, vector<16xf32>,
      %pack3A_629 = tpu.pack_subelements %get3A_621, %get3A_628 {pack_format = #tpu.pack_format<interleaved>, positions = array<i32: 0, 1>} : vector<16xf32>, vector<16xf32> -> vector<32xbf16>
      %add3A_630 = arith.constant 0 : i32
      %add3A_631 = arith.addi %mul3A_174, %add3A_630 : i32
      %add3A_632 = arith.constant 1 : i32
      %add3A_633 = arith.addi %add3A_631, %add3A_632 : i32
      %get3A_634 = arith.index_cast %add3A_633 : i32 to index
      %get3A_635 = arith.constant 96 : index
      %get3A_636 = tpu.vector_load %arg7[%get3A_634, %get3A_635] {strides = array<i32>} : memref<512x128xf32, #tpu.memory_space<vmem>>, vector<16xf32>,
      %add3A_637 = arith.constant 0 : i32
      %add3A_638 = arith.addi %mul3A_174, %add3A_637 : i32
      %add3A_639 = arith.constant 1 : i32
      %add3A_640 = arith.addi %add3A_638, %add3A_639 : i32
      %get3A_641 = arith.index_cast %add3A_640 : i32 to index
      %get3A_642 = arith.constant 112 : index
      %get3A_643 = tpu.vector_load %arg7[%get3A_641, %get3A_642] {strides = array<i32>} : memref<512x128xf32, #tpu.memory_space<vmem>>, vector<16xf32>,
      %pack3A_644 = tpu.pack_subelements %get3A_636, %get3A_643 {pack_format = #tpu.pack_format<interleaved>, positions = array<i32: 0, 1>} : vector<16xf32>, vector<16xf32> -> vector<32xbf16>
      %add3A_645 = arith.constant 0 : i32
      %add3A_646 = arith.addi %mul3A_174, %add3A_645 : i32
      %add3A_647 = arith.constant 2 : i32
      %add3A_648 = arith.addi %add3A_646, %add3A_647 : i32
      %get3A_649 = arith.index_cast %add3A_648 : i32 to index
      %get3A_650 = arith.constant 96 : index
      %get3A_651 = tpu.vector_load %arg7[%get3A_649, %get3A_650] {strides = array<i32>} : memref<512x128xf32, #tpu.memory_space<vmem>>, vector<16xf32>,
      %add3A_652 = arith.constant 0 : i32
      %add3A_653 = arith.addi %mul3A_174, %add3A_652 : i32
      %add3A_654 = arith.constant 2 : i32
      %add3A_655 = arith.addi %add3A_653, %add3A_654 : i32
      %get3A_656 = arith.index_cast %add3A_655 : i32 to index
      %get3A_657 = arith.constant 112 : index
      %get3A_658 = tpu.vector_load %arg7[%get3A_656, %get3A_657] {strides = array<i32>} : memref<512x128xf32, #tpu.memory_space<vmem>>, vector<16xf32>,
      %pack3A_659 = tpu.pack_subelements %get3A_651, %get3A_658 {pack_format = #tpu.pack_format<interleaved>, positions = array<i32: 0, 1>} : vector<16xf32>, vector<16xf32> -> vector<32xbf16>
      %add3A_660 = arith.constant 0 : i32
      %add3A_661 = arith.addi %mul3A_174, %add3A_660 : i32
      %add3A_662 = arith.constant 3 : i32
      %add3A_663 = arith.addi %add3A_661, %add3A_662 : i32
      %get3A_664 = arith.index_cast %add3A_663 : i32 to index
      %get3A_665 = arith.constant 96 : index
      %get3A_666 = tpu.vector_load %arg7[%get3A_664, %get3A_665] {strides = array<i32>} : memref<512x128xf32, #tpu.memory_space<vmem>>, vector<16xf32>,
      %add3A_667 = arith.constant 0 : i32
      %add3A_668 = arith.addi %mul3A_174, %add3A_667 : i32
      %add3A_669 = arith.constant 3 : i32
      %add3A_670 = arith.addi %add3A_668, %add3A_669 : i32
      %get3A_671 = arith.index_cast %add3A_670 : i32 to index
      %get3A_672 = arith.constant 112 : index
      %get3A_673 = tpu.vector_load %arg7[%get3A_671, %get3A_672] {strides = array<i32>} : memref<512x128xf32, #tpu.memory_space<vmem>>, vector<16xf32>,
      %pack3A_674 = tpu.pack_subelements %get3A_666, %get3A_673 {pack_format = #tpu.pack_format<interleaved>, positions = array<i32: 0, 1>} : vector<16xf32>, vector<16xf32> -> vector<32xbf16>
      %add3A_675 = arith.constant 0 : i32
      %add3A_676 = arith.addi %mul3A_174, %add3A_675 : i32
      %add3A_677 = arith.constant 4 : i32
      %add3A_678 = arith.addi %add3A_676, %add3A_677 : i32
      %get3A_679 = arith.index_cast %add3A_678 : i32 to index
      %get3A_680 = arith.constant 96 : index
      %get3A_681 = tpu.vector_load %arg7[%get3A_679, %get3A_680] {strides = array<i32>} : memref<512x128xf32, #tpu.memory_space<vmem>>, vector<16xf32>,
      %add3A_682 = arith.constant 0 : i32
      %add3A_683 = arith.addi %mul3A_174, %add3A_682 : i32
      %add3A_684 = arith.constant 4 : i32
      %add3A_685 = arith.addi %add3A_683, %add3A_684 : i32
      %get3A_686 = arith.index_cast %add3A_685 : i32 to index
      %get3A_687 = arith.constant 112 : index
      %get3A_688 = tpu.vector_load %arg7[%get3A_686, %get3A_687] {strides = array<i32>} : memref<512x128xf32, #tpu.memory_space<vmem>>, vector<16xf32>,
      %pack3A_689 = tpu.pack_subelements %get3A_681, %get3A_688 {pack_format = #tpu.pack_format<interleaved>, positions = array<i32: 0, 1>} : vector<16xf32>, vector<16xf32> -> vector<32xbf16>
      %add3A_690 = arith.constant 0 : i32
      %add3A_691 = arith.addi %mul3A_174, %add3A_690 : i32
      %add3A_692 = arith.constant 5 : i32
      %add3A_693 = arith.addi %add3A_691, %add3A_692 : i32
      %get3A_694 = arith.index_cast %add3A_693 : i32 to index
      %get3A_695 = arith.constant 96 : index
      %get3A_696 = tpu.vector_load %arg7[%get3A_694, %get3A_695] {strides = array<i32>} : memref<512x128xf32, #tpu.memory_space<vmem>>, vector<16xf32>,
      %add3A_697 = arith.constant 0 : i32
      %add3A_698 = arith.addi %mul3A_174, %add3A_697 : i32
      %add3A_699 = arith.constant 5 : i32
      %add3A_700 = arith.addi %add3A_698, %add3A_699 : i32
      %get3A_701 = arith.index_cast %add3A_700 : i32 to index
      %get3A_702 = arith.constant 112 : index
      %get3A_703 = tpu.vector_load %arg7[%get3A_701, %get3A_702] {strides = array<i32>} : memref<512x128xf32, #tpu.memory_space<vmem>>, vector<16xf32>,
      %pack3A_704 = tpu.pack_subelements %get3A_696, %get3A_703 {pack_format = #tpu.pack_format<interleaved>, positions = array<i32: 0, 1>} : vector<16xf32>, vector<16xf32> -> vector<32xbf16>
      %add3A_705 = arith.constant 0 : i32
      %add3A_706 = arith.addi %mul3A_174, %add3A_705 : i32
      %add3A_707 = arith.constant 6 : i32
      %add3A_708 = arith.addi %add3A_706, %add3A_707 : i32
      %get3A_709 = arith.index_cast %add3A_708 : i32 to index
      %get3A_710 = arith.constant 96 : index
      %get3A_711 = tpu.vector_load %arg7[%get3A_709, %get3A_710] {strides = array<i32>} : memref<512x128xf32, #tpu.memory_space<vmem>>, vector<16xf32>,
      %add3A_712 = arith.constant 0 : i32
      %add3A_713 = arith.addi %mul3A_174, %add3A_712 : i32
      %add3A_714 = arith.constant 6 : i32
      %add3A_715 = arith.addi %add3A_713, %add3A_714 : i32
      %get3A_716 = arith.index_cast %add3A_715 : i32 to index
      %get3A_717 = arith.constant 112 : index
      %get3A_718 = tpu.vector_load %arg7[%get3A_716, %get3A_717] {strides = array<i32>} : memref<512x128xf32, #tpu.memory_space<vmem>>, vector<16xf32>,
      %pack3A_719 = tpu.pack_subelements %get3A_711, %get3A_718 {pack_format = #tpu.pack_format<interleaved>, positions = array<i32: 0, 1>} : vector<16xf32>, vector<16xf32> -> vector<32xbf16>
      %add3A_720 = arith.constant 0 : i32
      %add3A_721 = arith.addi %mul3A_174, %add3A_720 : i32
      %add3A_722 = arith.constant 7 : i32
      %add3A_723 = arith.addi %add3A_721, %add3A_722 : i32
      %get3A_724 = arith.index_cast %add3A_723 : i32 to index
      %get3A_725 = arith.constant 96 : index
      %get3A_726 = tpu.vector_load %arg7[%get3A_724, %get3A_725] {strides = array<i32>} : memref<512x128xf32, #tpu.memory_space<vmem>>, vector<16xf32>,
      %add3A_727 = arith.constant 0 : i32
      %add3A_728 = arith.addi %mul3A_174, %add3A_727 : i32
      %add3A_729 = arith.constant 7 : i32
      %add3A_730 = arith.addi %add3A_728, %add3A_729 : i32
      %get3A_731 = arith.index_cast %add3A_730 : i32 to index
      %get3A_732 = arith.constant 112 : index
      %get3A_733 = tpu.vector_load %arg7[%get3A_731, %get3A_732] {strides = array<i32>} : memref<512x128xf32, #tpu.memory_space<vmem>>, vector<16xf32>,
      %pack3A_734 = tpu.pack_subelements %get3A_726, %get3A_733 {pack_format = #tpu.pack_format<interleaved>, positions = array<i32: 0, 1>} : vector<16xf32>, vector<16xf32> -> vector<32xbf16>
      %mul3A_735 = arith.mulf %pack3A_629, %pack3A_138 : vector<32xbf16>
      %add3A_736 = arith.addf %add3A_584, %mul3A_735 : vector<32xbf16>
      %mul3A_737 = arith.mulf %pack3A_629, %pack3A_629 : vector<32xbf16>
      %add3A_738 = arith.addf %add3A_586, %mul3A_737 : vector<32xbf16>
      %mul3A_739 = arith.mulf %pack3A_644, %pack3A_138 : vector<32xbf16>
      %add3A_740 = arith.addf %add3A_588, %mul3A_739 : vector<32xbf16>
      %mul3A_741 = arith.mulf %pack3A_644, %pack3A_644 : vector<32xbf16>
      %add3A_742 = arith.addf %add3A_590, %mul3A_741 : vector<32xbf16>
      %mul3A_743 = arith.mulf %pack3A_659, %pack3A_138 : vector<32xbf16>
      %add3A_744 = arith.addf %add3A_592, %mul3A_743 : vector<32xbf16>
      %mul3A_745 = arith.mulf %pack3A_659, %pack3A_659 : vector<32xbf16>
      %add3A_746 = arith.addf %add3A_594, %mul3A_745 : vector<32xbf16>
      %mul3A_747 = arith.mulf %pack3A_674, %pack3A_138 : vector<32xbf16>
      %add3A_748 = arith.addf %add3A_596, %mul3A_747 : vector<32xbf16>
      %mul3A_749 = arith.mulf %pack3A_674, %pack3A_674 : vector<32xbf16>
      %add3A_750 = arith.addf %add3A_598, %mul3A_749 : vector<32xbf16>
      %mul3A_751 = arith.mulf %pack3A_689, %pack3A_138 : vector<32xbf16>
      %add3A_752 = arith.addf %add3A_600, %mul3A_751 : vector<32xbf16>
      %mul3A_753 = arith.mulf %pack3A_689, %pack3A_689 : vector<32xbf16>
      %add3A_754 = arith.addf %add3A_602, %mul3A_753 : vector<32xbf16>
      %mul3A_755 = arith.mulf %pack3A_704, %pack3A_138 : vector<32xbf16>
      %add3A_756 = arith.addf %add3A_604, %mul3A_755 : vector<32xbf16>
      %mul3A_757 = arith.mulf %pack3A_704, %pack3A_704 : vector<32xbf16>
      %add3A_758 = arith.addf %add3A_606, %mul3A_757 : vector<32xbf16>
      %mul3A_759 = arith.mulf %pack3A_719, %pack3A_138 : vector<32xbf16>
      %add3A_760 = arith.addf %add3A_608, %mul3A_759 : vector<32xbf16>
      %mul3A_761 = arith.mulf %pack3A_719, %pack3A_719 : vector<32xbf16>
      %add3A_762 = arith.addf %add3A_610, %mul3A_761 : vector<32xbf16>
      %mul3A_763 = arith.mulf %pack3A_734, %pack3A_138 : vector<32xbf16>
      %add3A_764 = arith.addf %add3A_612, %mul3A_763 : vector<32xbf16>
      %mul3A_765 = arith.mulf %pack3A_734, %pack3A_734 : vector<32xbf16>
      %add3A_766 = arith.addf %add3A_614, %mul3A_765 : vector<32xbf16>
      %unpack3A = tpu.unpack_subelements %add3A_736, 0 {pack_format = #tpu.pack_format<interleaved>} : vector<32xbf16> -> vector<16xf32>
      %unpack3A_767 = tpu.unpack_subelements %add3A_736, 1 {pack_format = #tpu.pack_format<interleaved>} : vector<32xbf16> -> vector<16xf32>
      %unpack3A_768 = tpu.unpack_subelements %add3A_738, 0 {pack_format = #tpu.pack_format<interleaved>} : vector<32xbf16> -> vector<16xf32>
      %unpack3A_769 = tpu.unpack_subelements %add3A_738, 1 {pack_format = #tpu.pack_format<interleaved>} : vector<32xbf16> -> vector<16xf32>
      %add3A_770 = arith.addf %unpack3A, %unpack3A_767 : vector<16xf32>
      %add3A_771 = arith.addf %unpack3A_768, %unpack3A_769 : vector<16xf32>
      %pack3A_772 = tpu.pack_subelements %add3A_770, %add3A_771 {pack_format = #tpu.pack_format<interleaved>, positions = array<i32: 0, 1>} : vector<16xf32>, vector<16xf32> -> vector<32xbf16>
      %bitcast3A = vector.bitcast %pack3A_772 : vector<32xbf16> to vector<16xf32>
      %swap3A = arith.constant 0 : index
      %swap3A_773 = tpu.vector_load %arg9[%swap3A] {strides = array<i32>} : memref<256xf32, #tpu.memory_space<vmem>>, vector<16xf32>,
      tpu.vector_store %arg9[%swap3A], %bitcast3A {strides = array<i32>} : memref<256xf32, #tpu.memory_space<vmem>>, vector<16xf32>,
      %unpack3A_774 = tpu.unpack_subelements %add3A_740, 0 {pack_format = #tpu.pack_format<interleaved>} : vector<32xbf16> -> vector<16xf32>
      %unpack3A_775 = tpu.unpack_subelements %add3A_740, 1 {pack_format = #tpu.pack_format<interleaved>} : vector<32xbf16> -> vector<16xf32>
      %unpack3A_776 = tpu.unpack_subelements %add3A_742, 0 {pack_format = #tpu.pack_format<interleaved>} : vector<32xbf16> -> vector<16xf32>
      %unpack3A_777 = tpu.unpack_subelements %add3A_742, 1 {pack_format = #tpu.pack_format<interleaved>} : vector<32xbf16> -> vector<16xf32>
      %add3A_778 = arith.addf %unpack3A_774, %unpack3A_775 : vector<16xf32>
      %add3A_779 = arith.addf %unpack3A_776, %unpack3A_777 : vector<16xf32>
      %pack3A_780 = tpu.pack_subelements %add3A_778, %add3A_779 {pack_format = #tpu.pack_format<interleaved>, positions = array<i32: 0, 1>} : vector<16xf32>, vector<16xf32> -> vector<32xbf16>
      %bitcast3A_781 = vector.bitcast %pack3A_780 : vector<32xbf16> to vector<16xf32>
      %swap3A_782 = arith.constant 16 : index
      %swap3A_783 = tpu.vector_load %arg9[%swap3A_782] {strides = array<i32>} : memref<256xf32, #tpu.memory_space<vmem>>, vector<16xf32>,
      tpu.vector_store %arg9[%swap3A_782], %bitcast3A_781 {strides = array<i32>} : memref<256xf32, #tpu.memory_space<vmem>>, vector<16xf32>,
      %unpack3A_784 = tpu.unpack_subelements %add3A_744, 0 {pack_format = #tpu.pack_format<interleaved>} : vector<32xbf16> -> vector<16xf32>
      %unpack3A_785 = tpu.unpack_subelements %add3A_744, 1 {pack_format = #tpu.pack_format<interleaved>} : vector<32xbf16> -> vector<16xf32>
      %unpack3A_786 = tpu.unpack_subelements %add3A_746, 0 {pack_format = #tpu.pack_format<interleaved>} : vector<32xbf16> -> vector<16xf32>
      %unpack3A_787 = tpu.unpack_subelements %add3A_746, 1 {pack_format = #tpu.pack_format<interleaved>} : vector<32xbf16> -> vector<16xf32>
      %add3A_788 = arith.addf %unpack3A_784, %unpack3A_785 : vector<16xf32>
      %add3A_789 = arith.addf %unpack3A_786, %unpack3A_787 : vector<16xf32>
      %pack3A_790 = tpu.pack_subelements %add3A_788, %add3A_789 {pack_format = #tpu.pack_format<interleaved>, positions = array<i32: 0, 1>} : vector<16xf32>, vector<16xf32> -> vector<32xbf16>
      %bitcast3A_791 = vector.bitcast %pack3A_790 : vector<32xbf16> to vector<16xf32>
      %swap3A_792 = arith.constant 32 : index
      %swap3A_793 = tpu.vector_load %arg9[%swap3A_792] {strides = array<i32>} : memref<256xf32, #tpu.memory_space<vmem>>, vector<16xf32>,
      tpu.vector_store %arg9[%swap3A_792], %bitcast3A_791 {strides = array<i32>} : memref<256xf32, #tpu.memory_space<vmem>>, vector<16xf32>,
      %unpack3A_794 = tpu.unpack_subelements %add3A_748, 0 {pack_format = #tpu.pack_format<interleaved>} : vector<32xbf16> -> vector<16xf32>
      %unpack3A_795 = tpu.unpack_subelements %add3A_748, 1 {pack_format = #tpu.pack_format<interleaved>} : vector<32xbf16> -> vector<16xf32>
      %unpack3A_796 = tpu.unpack_subelements %add3A_750, 0 {pack_format = #tpu.pack_format<interleaved>} : vector<32xbf16> -> vector<16xf32>
      %unpack3A_797 = tpu.unpack_subelements %add3A_750, 1 {pack_format = #tpu.pack_format<interleaved>} : vector<32xbf16> -> vector<16xf32>
      %add3A_798 = arith.addf %unpack3A_794, %unpack3A_795 : vector<16xf32>
      %add3A_799 = arith.addf %unpack3A_796, %unpack3A_797 : vector<16xf32>
      %pack3A_800 = tpu.pack_subelements %add3A_798, %add3A_799 {pack_format = #tpu.pack_format<interleaved>, positions = array<i32: 0, 1>} : vector<16xf32>, vector<16xf32> -> vector<32xbf16>
      %bitcast3A_801 = vector.bitcast %pack3A_800 : vector<32xbf16> to vector<16xf32>
      %swap3A_802 = arith.constant 48 : index
      %swap3A_803 = tpu.vector_load %arg9[%swap3A_802] {strides = array<i32>} : memref<256xf32, #tpu.memory_space<vmem>>, vector<16xf32>,
      tpu.vector_store %arg9[%swap3A_802], %bitcast3A_801 {strides = array<i32>} : memref<256xf32, #tpu.memory_space<vmem>>, vector<16xf32>,
      %unpack3A_804 = tpu.unpack_subelements %add3A_752, 0 {pack_format = #tpu.pack_format<interleaved>} : vector<32xbf16> -> vector<16xf32>
      %unpack3A_805 = tpu.unpack_subelements %add3A_752, 1 {pack_format = #tpu.pack_format<interleaved>} : vector<32xbf16> -> vector<16xf32>
      %unpack3A_806 = tpu.unpack_subelements %add3A_754, 0 {pack_format = #tpu.pack_format<interleaved>} : vector<32xbf16> -> vector<16xf32>
      %unpack3A_807 = tpu.unpack_subelements %add3A_754, 1 {pack_format = #tpu.pack_format<interleaved>} : vector<32xbf16> -> vector<16xf32>
      %add3A_808 = arith.addf %unpack3A_804, %unpack3A_805 : vector<16xf32>
      %add3A_809 = arith.addf %unpack3A_806, %unpack3A_807 : vector<16xf32>
      %pack3A_810 = tpu.pack_subelements %add3A_808, %add3A_809 {pack_format = #tpu.pack_format<interleaved>, positions = array<i32: 0, 1>} : vector<16xf32>, vector<16xf32> -> vector<32xbf16>
      %bitcast3A_811 = vector.bitcast %pack3A_810 : vector<32xbf16> to vector<16xf32>
      %swap3A_812 = arith.constant 64 : index
      %swap3A_813 = tpu.vector_load %arg9[%swap3A_812] {strides = array<i32>} : memref<256xf32, #tpu.memory_space<vmem>>, vector<16xf32>,
      tpu.vector_store %arg9[%swap3A_812], %bitcast3A_811 {strides = array<i32>} : memref<256xf32, #tpu.memory_space<vmem>>, vector<16xf32>,
      %unpack3A_814 = tpu.unpack_subelements %add3A_756, 0 {pack_format = #tpu.pack_format<interleaved>} : vector<32xbf16> -> vector<16xf32>
      %unpack3A_815 = tpu.unpack_subelements %add3A_756, 1 {pack_format = #tpu.pack_format<interleaved>} : vector<32xbf16> -> vector<16xf32>
      %unpack3A_816 = tpu.unpack_subelements %add3A_758, 0 {pack_format = #tpu.pack_format<interleaved>} : vector<32xbf16> -> vector<16xf32>
      %unpack3A_817 = tpu.unpack_subelements %add3A_758, 1 {pack_format = #tpu.pack_format<interleaved>} : vector<32xbf16> -> vector<16xf32>
      %add3A_818 = arith.addf %unpack3A_814, %unpack3A_815 : vector<16xf32>
      %add3A_819 = arith.addf %unpack3A_816, %unpack3A_817 : vector<16xf32>
      %pack3A_820 = tpu.pack_subelements %add3A_818, %add3A_819 {pack_format = #tpu.pack_format<interleaved>, positions = array<i32: 0, 1>} : vector<16xf32>, vector<16xf32> -> vector<32xbf16>
      %bitcast3A_821 = vector.bitcast %pack3A_820 : vector<32xbf16> to vector<16xf32>
      %swap3A_822 = arith.constant 80 : index
      %swap3A_823 = tpu.vector_load %arg9[%swap3A_822] {strides = array<i32>} : memref<256xf32, #tpu.memory_space<vmem>>, vector<16xf32>,
      tpu.vector_store %arg9[%swap3A_822], %bitcast3A_821 {strides = array<i32>} : memref<256xf32, #tpu.memory_space<vmem>>, vector<16xf32>,
      %unpack3A_824 = tpu.unpack_subelements %add3A_760, 0 {pack_format = #tpu.pack_format<interleaved>} : vector<32xbf16> -> vector<16xf32>
      %unpack3A_825 = tpu.unpack_subelements %add3A_760, 1 {pack_format = #tpu.pack_format<interleaved>} : vector<32xbf16> -> vector<16xf32>
      %unpack3A_826 = tpu.unpack_subelements %add3A_762, 0 {pack_format = #tpu.pack_format<interleaved>} : vector<32xbf16> -> vector<16xf32>
      %unpack3A_827 = tpu.unpack_subelements %add3A_762, 1 {pack_format = #tpu.pack_format<interleaved>} : vector<32xbf16> -> vector<16xf32>
      %add3A_828 = arith.addf %unpack3A_824, %unpack3A_825 : vector<16xf32>
      %add3A_829 = arith.addf %unpack3A_826, %unpack3A_827 : vector<16xf32>
      %pack3A_830 = tpu.pack_subelements %add3A_828, %add3A_829 {pack_format = #tpu.pack_format<interleaved>, positions = array<i32: 0, 1>} : vector<16xf32>, vector<16xf32> -> vector<32xbf16>
      %bitcast3A_831 = vector.bitcast %pack3A_830 : vector<32xbf16> to vector<16xf32>
      %swap3A_832 = arith.constant 96 : index
      %swap3A_833 = tpu.vector_load %arg9[%swap3A_832] {strides = array<i32>} : memref<256xf32, #tpu.memory_space<vmem>>, vector<16xf32>,
      tpu.vector_store %arg9[%swap3A_832], %bitcast3A_831 {strides = array<i32>} : memref<256xf32, #tpu.memory_space<vmem>>, vector<16xf32>,
      %unpack3A_834 = tpu.unpack_subelements %add3A_764, 0 {pack_format = #tpu.pack_format<interleaved>} : vector<32xbf16> -> vector<16xf32>
      %unpack3A_835 = tpu.unpack_subelements %add3A_764, 1 {pack_format = #tpu.pack_format<interleaved>} : vector<32xbf16> -> vector<16xf32>
      %unpack3A_836 = tpu.unpack_subelements %add3A_766, 0 {pack_format = #tpu.pack_format<interleaved>} : vector<32xbf16> -> vector<16xf32>
      %unpack3A_837 = tpu.unpack_subelements %add3A_766, 1 {pack_format = #tpu.pack_format<interleaved>} : vector<32xbf16> -> vector<16xf32>
      %add3A_838 = arith.addf %unpack3A_834, %unpack3A_835 : vector<16xf32>
      %add3A_839 = arith.addf %unpack3A_836, %unpack3A_837 : vector<16xf32>
      %pack3A_840 = tpu.pack_subelements %add3A_838, %add3A_839 {pack_format = #tpu.pack_format<interleaved>, positions = array<i32: 0, 1>} : vector<16xf32>, vector<16xf32> -> vector<32xbf16>
      %bitcast3A_841 = vector.bitcast %pack3A_840 : vector<32xbf16> to vector<16xf32>
      %swap3A_842 = arith.constant 112 : index
      %swap3A_843 = tpu.vector_load %arg9[%swap3A_842] {strides = array<i32>} : memref<256xf32, #tpu.memory_space<vmem>>, vector<16xf32>,
      tpu.vector_store %arg9[%swap3A_842], %bitcast3A_841 {strides = array<i32>} : memref<256xf32, #tpu.memory_space<vmem>>, vector<16xf32>,
      %add3A_844 = arith.constant 8 : i32
      %add3A_845 = arith.addi %mul3A_174, %add3A_844 : i32
      %add3A_846 = arith.constant 0 : i32
      %add3A_847 = arith.addi %add3A_845, %add3A_846 : i32
      %get3A_848 = arith.index_cast %add3A_847 : i32 to index
      %get3A_849 = arith.constant 0 : index
      %get3A_850 = tpu.vector_load %arg7[%get3A_848, %get3A_849] {strides = array<i32>} : memref<512x128xf32, #tpu.memory_space<vmem>>, vector<16xf32>,
      %add3A_851 = arith.constant 8 : i32
      %add3A_852 = arith.addi %mul3A_174, %add3A_851 : i32
      %add3A_853 = arith.constant 0 : i32
      %add3A_854 = arith.addi %add3A_852, %add3A_853 : i32
      %get3A_855 = arith.index_cast %add3A_854 : i32 to index
      %get3A_856 = arith.constant 16 : index
      %get3A_857 = tpu.vector_load %arg7[%get3A_855, %get3A_856] {strides = array<i32>} : memref<512x128xf32, #tpu.memory_space<vmem>>, vector<16xf32>,
      %pack3A_858 = tpu.pack_subelements %get3A_850, %get3A_857 {pack_format = #tpu.pack_format<interleaved>, positions = array<i32: 0, 1>} : vector<16xf32>, vector<16xf32> -> vector<32xbf16>
      %add3A_859 = arith.constant 8 : i32
      %add3A_860 = arith.addi %mul3A_174, %add3A_859 : i32
      %add3A_861 = arith.constant 1 : i32
      %add3A_862 = arith.addi %add3A_860, %add3A_861 : i32
      %get3A_863 = arith.index_cast %add3A_862 : i32 to index
      %get3A_864 = arith.constant 0 : index
      %get3A_865 = tpu.vector_load %arg7[%get3A_863, %get3A_864] {strides = array<i32>} : memref<512x128xf32, #tpu.memory_space<vmem>>, vector<16xf32>,
      %add3A_866 = arith.constant 8 : i32
      %add3A_867 = arith.addi %mul3A_174, %add3A_866 : i32
      %add3A_868 = arith.constant 1 : i32
      %add3A_869 = arith.addi %add3A_867, %add3A_868 : i32
      %get3A_870 = arith.index_cast %add3A_869 : i32 to index
      %get3A_871 = arith.constant 16 : index
      %get3A_872 = tpu.vector_load %arg7[%get3A_870, %get3A_871] {strides = array<i32>} : memref<512x128xf32, #tpu.memory_space<vmem>>, vector<16xf32>,
      %pack3A_873 = tpu.pack_subelements %get3A_865, %get3A_872 {pack_format = #tpu.pack_format<interleaved>, positions = array<i32: 0, 1>} : vector<16xf32>, vector<16xf32> -> vector<32xbf16>
      %add3A_874 = arith.constant 8 : i32
      %add3A_875 = arith.addi %mul3A_174, %add3A_874 : i32
      %add3A_876 = arith.constant 2 : i32
      %add3A_877 = arith.addi %add3A_875, %add3A_876 : i32
      %get3A_878 = arith.index_cast %add3A_877 : i32 to index
      %get3A_879 = arith.constant 0 : index
      %get3A_880 = tpu.vector_load %arg7[%get3A_878, %get3A_879] {strides = array<i32>} : memref<512x128xf32, #tpu.memory_space<vmem>>, vector<16xf32>,
      %add3A_881 = arith.constant 8 : i32
      %add3A_882 = arith.addi %mul3A_174, %add3A_881 : i32
      %add3A_883 = arith.constant 2 : i32
      %add3A_884 = arith.addi %add3A_882, %add3A_883 : i32
      %get3A_885 = arith.index_cast %add3A_884 : i32 to index
      %get3A_886 = arith.constant 16 : index
      %get3A_887 = tpu.vector_load %arg7[%get3A_885, %get3A_886] {strides = array<i32>} : memref<512x128xf32, #tpu.memory_space<vmem>>, vector<16xf32>,
      %pack3A_888 = tpu.pack_subelements %get3A_880, %get3A_887 {pack_format = #tpu.pack_format<interleaved>, positions = array<i32: 0, 1>} : vector<16xf32>, vector<16xf32> -> vector<32xbf16>
      %add3A_889 = arith.constant 8 : i32
      %add3A_890 = arith.addi %mul3A_174, %add3A_889 : i32
      %add3A_891 = arith.constant 3 : i32
      %add3A_892 = arith.addi %add3A_890, %add3A_891 : i32
      %get3A_893 = arith.index_cast %add3A_892 : i32 to index
      %get3A_894 = arith.constant 0 : index
      %get3A_895 = tpu.vector_load %arg7[%get3A_893, %get3A_894] {strides = array<i32>} : memref<512x128xf32, #tpu.memory_space<vmem>>, vector<16xf32>,
      %add3A_896 = arith.constant 8 : i32
      %add3A_897 = arith.addi %mul3A_174, %add3A_896 : i32
      %add3A_898 = arith.constant 3 : i32
      %add3A_899 = arith.addi %add3A_897, %add3A_898 : i32
      %get3A_900 = arith.index_cast %add3A_899 : i32 to index
      %get3A_901 = arith.constant 16 : index
      %get3A_902 = tpu.vector_load %arg7[%get3A_900, %get3A_901] {strides = array<i32>} : memref<512x128xf32, #tpu.memory_space<vmem>>, vector<16xf32>,
      %pack3A_903 = tpu.pack_subelements %get3A_895, %get3A_902 {pack_format = #tpu.pack_format<interleaved>, positions = array<i32: 0, 1>} : vector<16xf32>, vector<16xf32> -> vector<32xbf16>
      %add3A_904 = arith.constant 8 : i32
      %add3A_905 = arith.addi %mul3A_174, %add3A_904 : i32
      %add3A_906 = arith.constant 4 : i32
      %add3A_907 = arith.addi %add3A_905, %add3A_906 : i32
      %get3A_908 = arith.index_cast %add3A_907 : i32 to index
      %get3A_909 = arith.constant 0 : index
      %get3A_910 = tpu.vector_load %arg7[%get3A_908, %get3A_909] {strides = array<i32>} : memref<512x128xf32, #tpu.memory_space<vmem>>, vector<16xf32>,
      %add3A_911 = arith.constant 8 : i32
      %add3A_912 = arith.addi %mul3A_174, %add3A_911 : i32
      %add3A_913 = arith.constant 4 : i32
      %add3A_914 = arith.addi %add3A_912, %add3A_913 : i32
      %get3A_915 = arith.index_cast %add3A_914 : i32 to index
      %get3A_916 = arith.constant 16 : index
      %get3A_917 = tpu.vector_load %arg7[%get3A_915, %get3A_916] {strides = array<i32>} : memref<512x128xf32, #tpu.memory_space<vmem>>, vector<16xf32>,
      %pack3A_918 = tpu.pack_subelements %get3A_910, %get3A_917 {pack_format = #tpu.pack_format<interleaved>, positions = array<i32: 0, 1>} : vector<16xf32>, vector<16xf32> -> vector<32xbf16>
      %add3A_919 = arith.constant 8 : i32
      %add3A_920 = arith.addi %mul3A_174, %add3A_919 : i32
      %add3A_921 = arith.constant 5 : i32
      %add3A_922 = arith.addi %add3A_920, %add3A_921 : i32
      %get3A_923 = arith.index_cast %add3A_922 : i32 to index
      %get3A_924 = arith.constant 0 : index
      %get3A_925 = tpu.vector_load %arg7[%get3A_923, %get3A_924] {strides = array<i32>} : memref<512x128xf32, #tpu.memory_space<vmem>>, vector<16xf32>,
      %add3A_926 = arith.constant 8 : i32
      %add3A_927 = arith.addi %mul3A_174, %add3A_926 : i32
      %add3A_928 = arith.constant 5 : i32
      %add3A_929 = arith.addi %add3A_927, %add3A_928 : i32
      %get3A_930 = arith.index_cast %add3A_929 : i32 to index
      %get3A_931 = arith.constant 16 : index
      %get3A_932 = tpu.vector_load %arg7[%get3A_930, %get3A_931] {strides = array<i32>} : memref<512x128xf32, #tpu.memory_space<vmem>>, vector<16xf32>,
      %pack3A_933 = tpu.pack_subelements %get3A_925, %get3A_932 {pack_format = #tpu.pack_format<interleaved>, positions = array<i32: 0, 1>} : vector<16xf32>, vector<16xf32> -> vector<32xbf16>
      %add3A_934 = arith.constant 8 : i32
      %add3A_935 = arith.addi %mul3A_174, %add3A_934 : i32
      %add3A_936 = arith.constant 6 : i32
      %add3A_937 = arith.addi %add3A_935, %add3A_936 : i32
      %get3A_938 = arith.index_cast %add3A_937 : i32 to index
      %get3A_939 = arith.constant 0 : index
      %get3A_940 = tpu.vector_load %arg7[%get3A_938, %get3A_939] {strides = array<i32>} : memref<512x128xf32, #tpu.memory_space<vmem>>, vector<16xf32>,
      %add3A_941 = arith.constant 8 : i32
      %add3A_942 = arith.addi %mul3A_174, %add3A_941 : i32
      %add3A_943 = arith.constant 6 : i32
      %add3A_944 = arith.addi %add3A_942, %add3A_943 : i32
      %get3A_945 = arith.index_cast %add3A_944 : i32 to index
      %get3A_946 = arith.constant 16 : index
      %get3A_947 = tpu.vector_load %arg7[%get3A_945, %get3A_946] {strides = array<i32>} : memref<512x128xf32, #tpu.memory_space<vmem>>, vector<16xf32>,
      %pack3A_948 = tpu.pack_subelements %get3A_940, %get3A_947 {pack_format = #tpu.pack_format<interleaved>, positions = array<i32: 0, 1>} : vector<16xf32>, vector<16xf32> -> vector<32xbf16>
      %add3A_949 = arith.constant 8 : i32
      %add3A_950 = arith.addi %mul3A_174, %add3A_949 : i32
      %add3A_951 = arith.constant 7 : i32
      %add3A_952 = arith.addi %add3A_950, %add3A_951 : i32
      %get3A_953 = arith.index_cast %add3A_952 : i32 to index
      %get3A_954 = arith.constant 0 : index
      %get3A_955 = tpu.vector_load %arg7[%get3A_953, %get3A_954] {strides = array<i32>} : memref<512x128xf32, #tpu.memory_space<vmem>>, vector<16xf32>,
      %add3A_956 = arith.constant 8 : i32
      %add3A_957 = arith.addi %mul3A_174, %add3A_956 : i32
      %add3A_958 = arith.constant 7 : i32
      %add3A_959 = arith.addi %add3A_957, %add3A_958 : i32
      %get3A_960 = arith.index_cast %add3A_959 : i32 to index
      %get3A_961 = arith.constant 16 : index
      %get3A_962 = tpu.vector_load %arg7[%get3A_960, %get3A_961] {strides = array<i32>} : memref<512x128xf32, #tpu.memory_space<vmem>>, vector<16xf32>,
      %pack3A_963 = tpu.pack_subelements %get3A_955, %get3A_962 {pack_format = #tpu.pack_format<interleaved>, positions = array<i32: 0, 1>} : vector<16xf32>, vector<16xf32> -> vector<32xbf16>
      %mul3A_964 = arith.mulf %pack3A_858, %pack3A : vector<32xbf16>
      %mul3A_965 = arith.mulf %pack3A_873, %pack3A : vector<32xbf16>
      %mul3A_966 = arith.mulf %pack3A_888, %pack3A : vector<32xbf16>
      %mul3A_967 = arith.mulf %pack3A_903, %pack3A : vector<32xbf16>
      %mul3A_968 = arith.mulf %pack3A_918, %pack3A : vector<32xbf16>
      %mul3A_969 = arith.mulf %pack3A_933, %pack3A : vector<32xbf16>
      %mul3A_970 = arith.mulf %pack3A_948, %pack3A : vector<32xbf16>
      %mul3A_971 = arith.mulf %pack3A_963, %pack3A : vector<32xbf16>
      %mul3A_972 = arith.mulf %pack3A_858, %pack3A_858 : vector<32xbf16>
      %mul3A_973 = arith.mulf %pack3A_873, %pack3A_873 : vector<32xbf16>
      %mul3A_974 = arith.mulf %pack3A_888, %pack3A_888 : vector<32xbf16>
      %mul3A_975 = arith.mulf %pack3A_903, %pack3A_903 : vector<32xbf16>
      %mul3A_976 = arith.mulf %pack3A_918, %pack3A_918 : vector<32xbf16>
      %mul3A_977 = arith.mulf %pack3A_933, %pack3A_933 : vector<32xbf16>
      %mul3A_978 = arith.mulf %pack3A_948, %pack3A_948 : vector<32xbf16>
      %mul3A_979 = arith.mulf %pack3A_963, %pack3A_963 : vector<32xbf16>
      %add3A_980 = arith.constant 8 : i32
      %add3A_981 = arith.addi %mul3A_174, %add3A_980 : i32
      %add3A_982 = arith.constant 0 : i32
      %add3A_983 = arith.addi %add3A_981, %add3A_982 : i32
      %get3A_984 = arith.index_cast %add3A_983 : i32 to index
      %get3A_985 = arith.constant 32 : index
      %get3A_986 = tpu.vector_load %arg7[%get3A_984, %get3A_985] {strides = array<i32>} : memref<512x128xf32, #tpu.memory_space<vmem>>, vector<16xf32>,
      %add3A_987 = arith.constant 8 : i32
      %add3A_988 = arith.addi %mul3A_174, %add3A_987 : i32
      %add3A_989 = arith.constant 0 : i32
      %add3A_990 = arith.addi %add3A_988, %add3A_989 : i32
      %get3A_991 = arith.index_cast %add3A_990 : i32 to index
      %get3A_992 = arith.constant 48 : index
      %get3A_993 = tpu.vector_load %arg7[%get3A_991, %get3A_992] {strides = array<i32>} : memref<512x128xf32, #tpu.memory_space<vmem>>, vector<16xf32>,
      %pack3A_994 = tpu.pack_subelements %get3A_986, %get3A_993 {pack_format = #tpu.pack_format<interleaved>, positions = array<i32: 0, 1>} : vector<16xf32>, vector<16xf32> -> vector<32xbf16>
      %add3A_995 = arith.constant 8 : i32
      %add3A_996 = arith.addi %mul3A_174, %add3A_995 : i32
      %add3A_997 = arith.constant 1 : i32
      %add3A_998 = arith.addi %add3A_996, %add3A_997 : i32
      %get3A_999 = arith.index_cast %add3A_998 : i32 to index
      %get3A_1000 = arith.constant 32 : index
      %get3A_1001 = tpu.vector_load %arg7[%get3A_999, %get3A_1000] {strides = array<i32>} : memref<512x128xf32, #tpu.memory_space<vmem>>, vector<16xf32>,
      %add3A_1002 = arith.constant 8 : i32
      %add3A_1003 = arith.addi %mul3A_174, %add3A_1002 : i32
      %add3A_1004 = arith.constant 1 : i32
      %add3A_1005 = arith.addi %add3A_1003, %add3A_1004 : i32
      %get3A_1006 = arith.index_cast %add3A_1005 : i32 to index
      %get3A_1007 = arith.constant 48 : index
      %get3A_1008 = tpu.vector_load %arg7[%get3A_1006, %get3A_1007] {strides = array<i32>} : memref<512x128xf32, #tpu.memory_space<vmem>>, vector<16xf32>,
      %pack3A_1009 = tpu.pack_subelements %get3A_1001, %get3A_1008 {pack_format = #tpu.pack_format<interleaved>, positions = array<i32: 0, 1>} : vector<16xf32>, vector<16xf32> -> vector<32xbf16>
      %add3A_1010 = arith.constant 8 : i32
      %add3A_1011 = arith.addi %mul3A_174, %add3A_1010 : i32
      %add3A_1012 = arith.constant 2 : i32
      %add3A_1013 = arith.addi %add3A_1011, %add3A_1012 : i32
      %get3A_1014 = arith.index_cast %add3A_1013 : i32 to index
      %get3A_1015 = arith.constant 32 : index
      %get3A_1016 = tpu.vector_load %arg7[%get3A_1014, %get3A_1015] {strides = array<i32>} : memref<512x128xf32, #tpu.memory_space<vmem>>, vector<16xf32>,
      %add3A_1017 = arith.constant 8 : i32
      %add3A_1018 = arith.addi %mul3A_174, %add3A_1017 : i32
      %add3A_1019 = arith.constant 2 : i32
      %add3A_1020 = arith.addi %add3A_1018, %add3A_1019 : i32
      %get3A_1021 = arith.index_cast %add3A_1020 : i32 to index
      %get3A_1022 = arith.constant 48 : index
      %get3A_1023 = tpu.vector_load %arg7[%get3A_1021, %get3A_1022] {strides = array<i32>} : memref<512x128xf32, #tpu.memory_space<vmem>>, vector<16xf32>,
      %pack3A_1024 = tpu.pack_subelements %get3A_1016, %get3A_1023 {pack_format = #tpu.pack_format<interleaved>, positions = array<i32: 0, 1>} : vector<16xf32>, vector<16xf32> -> vector<32xbf16>
      %add3A_1025 = arith.constant 8 : i32
      %add3A_1026 = arith.addi %mul3A_174, %add3A_1025 : i32
      %add3A_1027 = arith.constant 3 : i32
      %add3A_1028 = arith.addi %add3A_1026, %add3A_1027 : i32
      %get3A_1029 = arith.index_cast %add3A_1028 : i32 to index
      %get3A_1030 = arith.constant 32 : index
      %get3A_1031 = tpu.vector_load %arg7[%get3A_1029, %get3A_1030] {strides = array<i32>} : memref<512x128xf32, #tpu.memory_space<vmem>>, vector<16xf32>,
      %add3A_1032 = arith.constant 8 : i32
      %add3A_1033 = arith.addi %mul3A_174, %add3A_1032 : i32
      %add3A_1034 = arith.constant 3 : i32
      %add3A_1035 = arith.addi %add3A_1033, %add3A_1034 : i32
      %get3A_1036 = arith.index_cast %add3A_1035 : i32 to index
      %get3A_1037 = arith.constant 48 : index
      %get3A_1038 = tpu.vector_load %arg7[%get3A_1036, %get3A_1037] {strides = array<i32>} : memref<512x128xf32, #tpu.memory_space<vmem>>, vector<16xf32>,
      %pack3A_1039 = tpu.pack_subelements %get3A_1031, %get3A_1038 {pack_format = #tpu.pack_format<interleaved>, positions = array<i32: 0, 1>} : vector<16xf32>, vector<16xf32> -> vector<32xbf16>
      %add3A_1040 = arith.constant 8 : i32
      %add3A_1041 = arith.addi %mul3A_174, %add3A_1040 : i32
      %add3A_1042 = arith.constant 4 : i32
      %add3A_1043 = arith.addi %add3A_1041, %add3A_1042 : i32
      %get3A_1044 = arith.index_cast %add3A_1043 : i32 to index
      %get3A_1045 = arith.constant 32 : index
      %get3A_1046 = tpu.vector_load %arg7[%get3A_1044, %get3A_1045] {strides = array<i32>} : memref<512x128xf32, #tpu.memory_space<vmem>>, vector<16xf32>,
      %add3A_1047 = arith.constant 8 : i32
      %add3A_1048 = arith.addi %mul3A_174, %add3A_1047 : i32
      %add3A_1049 = arith.constant 4 : i32
      %add3A_1050 = arith.addi %add3A_1048, %add3A_1049 : i32
      %get3A_1051 = arith.index_cast %add3A_1050 : i32 to index
      %get3A_1052 = arith.constant 48 : index
      %get3A_1053 = tpu.vector_load %arg7[%get3A_1051, %get3A_1052] {strides = array<i32>} : memref<512x128xf32, #tpu.memory_space<vmem>>, vector<16xf32>,
      %pack3A_1054 = tpu.pack_subelements %get3A_1046, %get3A_1053 {pack_format = #tpu.pack_format<interleaved>, positions = array<i32: 0, 1>} : vector<16xf32>, vector<16xf32> -> vector<32xbf16>
      %add3A_1055 = arith.constant 8 : i32
      %add3A_1056 = arith.addi %mul3A_174, %add3A_1055 : i32
      %add3A_1057 = arith.constant 5 : i32
      %add3A_1058 = arith.addi %add3A_1056, %add3A_1057 : i32
      %get3A_1059 = arith.index_cast %add3A_1058 : i32 to index
      %get3A_1060 = arith.constant 32 : index
      %get3A_1061 = tpu.vector_load %arg7[%get3A_1059, %get3A_1060] {strides = array<i32>} : memref<512x128xf32, #tpu.memory_space<vmem>>, vector<16xf32>,
      %add3A_1062 = arith.constant 8 : i32
      %add3A_1063 = arith.addi %mul3A_174, %add3A_1062 : i32
      %add3A_1064 = arith.constant 5 : i32
      %add3A_1065 = arith.addi %add3A_1063, %add3A_1064 : i32
      %get3A_1066 = arith.index_cast %add3A_1065 : i32 to index
      %get3A_1067 = arith.constant 48 : index
      %get3A_1068 = tpu.vector_load %arg7[%get3A_1066, %get3A_1067] {strides = array<i32>} : memref<512x128xf32, #tpu.memory_space<vmem>>, vector<16xf32>,
      %pack3A_1069 = tpu.pack_subelements %get3A_1061, %get3A_1068 {pack_format = #tpu.pack_format<interleaved>, positions = array<i32: 0, 1>} : vector<16xf32>, vector<16xf32> -> vector<32xbf16>
      %add3A_1070 = arith.constant 8 : i32
      %add3A_1071 = arith.addi %mul3A_174, %add3A_1070 : i32
      %add3A_1072 = arith.constant 6 : i32
      %add3A_1073 = arith.addi %add3A_1071, %add3A_1072 : i32
      %get3A_1074 = arith.index_cast %add3A_1073 : i32 to index
      %get3A_1075 = arith.constant 32 : index
      %get3A_1076 = tpu.vector_load %arg7[%get3A_1074, %get3A_1075] {strides = array<i32>} : memref<512x128xf32, #tpu.memory_space<vmem>>, vector<16xf32>,
      %add3A_1077 = arith.constant 8 : i32
      %add3A_1078 = arith.addi %mul3A_174, %add3A_1077 : i32
      %add3A_1079 = arith.constant 6 : i32
      %add3A_1080 = arith.addi %add3A_1078, %add3A_1079 : i32
      %get3A_1081 = arith.index_cast %add3A_1080 : i32 to index
      %get3A_1082 = arith.constant 48 : index
      %get3A_1083 = tpu.vector_load %arg7[%get3A_1081, %get3A_1082] {strides = array<i32>} : memref<512x128xf32, #tpu.memory_space<vmem>>, vector<16xf32>,
      %pack3A_1084 = tpu.pack_subelements %get3A_1076, %get3A_1083 {pack_format = #tpu.pack_format<interleaved>, positions = array<i32: 0, 1>} : vector<16xf32>, vector<16xf32> -> vector<32xbf16>
      %add3A_1085 = arith.constant 8 : i32
      %add3A_1086 = arith.addi %mul3A_174, %add3A_1085 : i32
      %add3A_1087 = arith.constant 7 : i32
      %add3A_1088 = arith.addi %add3A_1086, %add3A_1087 : i32
      %get3A_1089 = arith.index_cast %add3A_1088 : i32 to index
      %get3A_1090 = arith.constant 32 : index
      %get3A_1091 = tpu.vector_load %arg7[%get3A_1089, %get3A_1090] {strides = array<i32>} : memref<512x128xf32, #tpu.memory_space<vmem>>, vector<16xf32>,
      %add3A_1092 = arith.constant 8 : i32
      %add3A_1093 = arith.addi %mul3A_174, %add3A_1092 : i32
      %add3A_1094 = arith.constant 7 : i32
      %add3A_1095 = arith.addi %add3A_1093, %add3A_1094 : i32
      %get3A_1096 = arith.index_cast %add3A_1095 : i32 to index
      %get3A_1097 = arith.constant 48 : index
      %get3A_1098 = tpu.vector_load %arg7[%get3A_1096, %get3A_1097] {strides = array<i32>} : memref<512x128xf32, #tpu.memory_space<vmem>>, vector<16xf32>,
      %pack3A_1099 = tpu.pack_subelements %get3A_1091, %get3A_1098 {pack_format = #tpu.pack_format<interleaved>, positions = array<i32: 0, 1>} : vector<16xf32>, vector<16xf32> -> vector<32xbf16>
      %mul3A_1100 = arith.mulf %pack3A_994, %pack3A_136 : vector<32xbf16>
      %add3A_1101 = arith.addf %mul3A_964, %mul3A_1100 : vector<32xbf16>
      %mul3A_1102 = arith.mulf %pack3A_994, %pack3A_994 : vector<32xbf16>
      %add3A_1103 = arith.addf %mul3A_972, %mul3A_1102 : vector<32xbf16>
      %mul3A_1104 = arith.mulf %pack3A_1009, %pack3A_136 : vector<32xbf16>
      %add3A_1105 = arith.addf %mul3A_965, %mul3A_1104 : vector<32xbf16>
      %mul3A_1106 = arith.mulf %pack3A_1009, %pack3A_1009 : vector<32xbf16>
      %add3A_1107 = arith.addf %mul3A_973, %mul3A_1106 : vector<32xbf16>
      %mul3A_1108 = arith.mulf %pack3A_1024, %pack3A_136 : vector<32xbf16>
      %add3A_1109 = arith.addf %mul3A_966, %mul3A_1108 : vector<32xbf16>
      %mul3A_1110 = arith.mulf %pack3A_1024, %pack3A_1024 : vector<32xbf16>
      %add3A_1111 = arith.addf %mul3A_974, %mul3A_1110 : vector<32xbf16>
      %mul3A_1112 = arith.mulf %pack3A_1039, %pack3A_136 : vector<32xbf16>
      %add3A_1113 = arith.addf %mul3A_967, %mul3A_1112 : vector<32xbf16>
      %mul3A_1114 = arith.mulf %pack3A_1039, %pack3A_1039 : vector<32xbf16>
      %add3A_1115 = arith.addf %mul3A_975, %mul3A_1114 : vector<32xbf16>
      %mul3A_1116 = arith.mulf %pack3A_1054, %pack3A_136 : vector<32xbf16>
      %add3A_1117 = arith.addf %mul3A_968, %mul3A_1116 : vector<32xbf16>
      %mul3A_1118 = arith.mulf %pack3A_1054, %pack3A_1054 : vector<32xbf16>
      %add3A_1119 = arith.addf %mul3A_976, %mul3A_1118 : vector<32xbf16>
      %mul3A_1120 = arith.mulf %pack3A_1069, %pack3A_136 : vector<32xbf16>
      %add3A_1121 = arith.addf %mul3A_969, %mul3A_1120 : vector<32xbf16>
      %mul3A_1122 = arith.mulf %pack3A_1069, %pack3A_1069 : vector<32xbf16>
      %add3A_1123 = arith.addf %mul3A_977, %mul3A_1122 : vector<32xbf16>
      %mul3A_1124 = arith.mulf %pack3A_1084, %pack3A_136 : vector<32xbf16>
      %add3A_1125 = arith.addf %mul3A_970, %mul3A_1124 : vector<32xbf16>
      %mul3A_1126 = arith.mulf %pack3A_1084, %pack3A_1084 : vector<32xbf16>
      %add3A_1127 = arith.addf %mul3A_978, %mul3A_1126 : vector<32xbf16>
      %mul3A_1128 = arith.mulf %pack3A_1099, %pack3A_136 : vector<32xbf16>
      %add3A_1129 = arith.addf %mul3A_971, %mul3A_1128 : vector<32xbf16>
      %mul3A_1130 = arith.mulf %pack3A_1099, %pack3A_1099 : vector<32xbf16>
      %add3A_1131 = arith.addf %mul3A_979, %mul3A_1130 : vector<32xbf16>
      %add3A_1132 = arith.constant 8 : i32
      %add3A_1133 = arith.addi %mul3A_174, %add3A_1132 : i32
      %add3A_1134 = arith.constant 0 : i32
      %add3A_1135 = arith.addi %add3A_1133, %add3A_1134 : i32
      %get3A_1136 = arith.index_cast %add3A_1135 : i32 to index
      %get3A_1137 = arith.constant 64 : index
      %get3A_1138 = tpu.vector_load %arg7[%get3A_1136, %get3A_1137] {strides = array<i32>} : memref<512x128xf32, #tpu.memory_space<vmem>>, vector<16xf32>,
      %add3A_1139 = arith.constant 8 : i32
      %add3A_1140 = arith.addi %mul3A_174, %add3A_1139 : i32
      %add3A_1141 = arith.constant 0 : i32
      %add3A_1142 = arith.addi %add3A_1140, %add3A_1141 : i32
      %get3A_1143 = arith.index_cast %add3A_1142 : i32 to index
      %get3A_1144 = arith.constant 80 : index
      %get3A_1145 = tpu.vector_load %arg7[%get3A_1143, %get3A_1144] {strides = array<i32>} : memref<512x128xf32, #tpu.memory_space<vmem>>, vector<16xf32>,
      %pack3A_1146 = tpu.pack_subelements %get3A_1138, %get3A_1145 {pack_format = #tpu.pack_format<interleaved>, positions = array<i32: 0, 1>} : vector<16xf32>, vector<16xf32> -> vector<32xbf16>
      %add3A_1147 = arith.constant 8 : i32
      %add3A_1148 = arith.addi %mul3A_174, %add3A_1147 : i32
      %add3A_1149 = arith.constant 1 : i32
      %add3A_1150 = arith.addi %add3A_1148, %add3A_1149 : i32
      %get3A_1151 = arith.index_cast %add3A_1150 : i32 to index
      %get3A_1152 = arith.constant 64 : index
      %get3A_1153 = tpu.vector_load %arg7[%get3A_1151, %get3A_1152] {strides = array<i32>} : memref<512x128xf32, #tpu.memory_space<vmem>>, vector<16xf32>,
      %add3A_1154 = arith.constant 8 : i32
      %add3A_1155 = arith.addi %mul3A_174, %add3A_1154 : i32
      %add3A_1156 = arith.constant 1 : i32
      %add3A_1157 = arith.addi %add3A_1155, %add3A_1156 : i32
      %get3A_1158 = arith.index_cast %add3A_1157 : i32 to index
      %get3A_1159 = arith.constant 80 : index
      %get3A_1160 = tpu.vector_load %arg7[%get3A_1158, %get3A_1159] {strides = array<i32>} : memref<512x128xf32, #tpu.memory_space<vmem>>, vector<16xf32>,
      %pack3A_1161 = tpu.pack_subelements %get3A_1153, %get3A_1160 {pack_format = #tpu.pack_format<interleaved>, positions = array<i32: 0, 1>} : vector<16xf32>, vector<16xf32> -> vector<32xbf16>
      %add3A_1162 = arith.constant 8 : i32
      %add3A_1163 = arith.addi %mul3A_174, %add3A_1162 : i32
      %add3A_1164 = arith.constant 2 : i32
      %add3A_1165 = arith.addi %add3A_1163, %add3A_1164 : i32
      %get3A_1166 = arith.index_cast %add3A_1165 : i32 to index
      %get3A_1167 = arith.constant 64 : index
      %get3A_1168 = tpu.vector_load %arg7[%get3A_1166, %get3A_1167] {strides = array<i32>} : memref<512x128xf32, #tpu.memory_space<vmem>>, vector<16xf32>,
      %add3A_1169 = arith.constant 8 : i32
      %add3A_1170 = arith.addi %mul3A_174, %add3A_1169 : i32
      %add3A_1171 = arith.constant 2 : i32
      %add3A_1172 = arith.addi %add3A_1170, %add3A_1171 : i32
      %get3A_1173 = arith.index_cast %add3A_1172 : i32 to index
      %get3A_1174 = arith.constant 80 : index
      %get3A_1175 = tpu.vector_load %arg7[%get3A_1173, %get3A_1174] {strides = array<i32>} : memref<512x128xf32, #tpu.memory_space<vmem>>, vector<16xf32>,
      %pack3A_1176 = tpu.pack_subelements %get3A_1168, %get3A_1175 {pack_format = #tpu.pack_format<interleaved>, positions = array<i32: 0, 1>} : vector<16xf32>, vector<16xf32> -> vector<32xbf16>
      %add3A_1177 = arith.constant 8 : i32
      %add3A_1178 = arith.addi %mul3A_174, %add3A_1177 : i32
      %add3A_1179 = arith.constant 3 : i32
      %add3A_1180 = arith.addi %add3A_1178, %add3A_1179 : i32
      %get3A_1181 = arith.index_cast %add3A_1180 : i32 to index
      %get3A_1182 = arith.constant 64 : index
      %get3A_1183 = tpu.vector_load %arg7[%get3A_1181, %get3A_1182] {strides = array<i32>} : memref<512x128xf32, #tpu.memory_space<vmem>>, vector<16xf32>,
      %add3A_1184 = arith.constant 8 : i32
      %add3A_1185 = arith.addi %mul3A_174, %add3A_1184 : i32
      %add3A_1186 = arith.constant 3 : i32
      %add3A_1187 = arith.addi %add3A_1185, %add3A_1186 : i32
      %get3A_1188 = arith.index_cast %add3A_1187 : i32 to index
      %get3A_1189 = arith.constant 80 : index
      %get3A_1190 = tpu.vector_load %arg7[%get3A_1188, %get3A_1189] {strides = array<i32>} : memref<512x128xf32, #tpu.memory_space<vmem>>, vector<16xf32>,
      %pack3A_1191 = tpu.pack_subelements %get3A_1183, %get3A_1190 {pack_format = #tpu.pack_format<interleaved>, positions = array<i32: 0, 1>} : vector<16xf32>, vector<16xf32> -> vector<32xbf16>
      %add3A_1192 = arith.constant 8 : i32
      %add3A_1193 = arith.addi %mul3A_174, %add3A_1192 : i32
      %add3A_1194 = arith.constant 4 : i32
      %add3A_1195 = arith.addi %add3A_1193, %add3A_1194 : i32
      %get3A_1196 = arith.index_cast %add3A_1195 : i32 to index
      %get3A_1197 = arith.constant 64 : index
      %get3A_1198 = tpu.vector_load %arg7[%get3A_1196, %get3A_1197] {strides = array<i32>} : memref<512x128xf32, #tpu.memory_space<vmem>>, vector<16xf32>,
      %add3A_1199 = arith.constant 8 : i32
      %add3A_1200 = arith.addi %mul3A_174, %add3A_1199 : i32
      %add3A_1201 = arith.constant 4 : i32
      %add3A_1202 = arith.addi %add3A_1200, %add3A_1201 : i32
      %get3A_1203 = arith.index_cast %add3A_1202 : i32 to index
      %get3A_1204 = arith.constant 80 : index
      %get3A_1205 = tpu.vector_load %arg7[%get3A_1203, %get3A_1204] {strides = array<i32>} : memref<512x128xf32, #tpu.memory_space<vmem>>, vector<16xf32>,
      %pack3A_1206 = tpu.pack_subelements %get3A_1198, %get3A_1205 {pack_format = #tpu.pack_format<interleaved>, positions = array<i32: 0, 1>} : vector<16xf32>, vector<16xf32> -> vector<32xbf16>
      %add3A_1207 = arith.constant 8 : i32
      %add3A_1208 = arith.addi %mul3A_174, %add3A_1207 : i32
      %add3A_1209 = arith.constant 5 : i32
      %add3A_1210 = arith.addi %add3A_1208, %add3A_1209 : i32
      %get3A_1211 = arith.index_cast %add3A_1210 : i32 to index
      %get3A_1212 = arith.constant 64 : index
      %get3A_1213 = tpu.vector_load %arg7[%get3A_1211, %get3A_1212] {strides = array<i32>} : memref<512x128xf32, #tpu.memory_space<vmem>>, vector<16xf32>,
      %add3A_1214 = arith.constant 8 : i32
      %add3A_1215 = arith.addi %mul3A_174, %add3A_1214 : i32
      %add3A_1216 = arith.constant 5 : i32
      %add3A_1217 = arith.addi %add3A_1215, %add3A_1216 : i32
      %get3A_1218 = arith.index_cast %add3A_1217 : i32 to index
      %get3A_1219 = arith.constant 80 : index
      %get3A_1220 = tpu.vector_load %arg7[%get3A_1218, %get3A_1219] {strides = array<i32>} : memref<512x128xf32, #tpu.memory_space<vmem>>, vector<16xf32>,
      %pack3A_1221 = tpu.pack_subelements %get3A_1213, %get3A_1220 {pack_format = #tpu.pack_format<interleaved>, positions = array<i32: 0, 1>} : vector<16xf32>, vector<16xf32> -> vector<32xbf16>
      %add3A_1222 = arith.constant 8 : i32
      %add3A_1223 = arith.addi %mul3A_174, %add3A_1222 : i32
      %add3A_1224 = arith.constant 6 : i32
      %add3A_1225 = arith.addi %add3A_1223, %add3A_1224 : i32
      %get3A_1226 = arith.index_cast %add3A_1225 : i32 to index
      %get3A_1227 = arith.constant 64 : index
      %get3A_1228 = tpu.vector_load %arg7[%get3A_1226, %get3A_1227] {strides = array<i32>} : memref<512x128xf32, #tpu.memory_space<vmem>>, vector<16xf32>,
      %add3A_1229 = arith.constant 8 : i32
      %add3A_1230 = arith.addi %mul3A_174, %add3A_1229 : i32
      %add3A_1231 = arith.constant 6 : i32
      %add3A_1232 = arith.addi %add3A_1230, %add3A_1231 : i32
      %get3A_1233 = arith.index_cast %add3A_1232 : i32 to index
      %get3A_1234 = arith.constant 80 : index
      %get3A_1235 = tpu.vector_load %arg7[%get3A_1233, %get3A_1234] {strides = array<i32>} : memref<512x128xf32, #tpu.memory_space<vmem>>, vector<16xf32>,
      %pack3A_1236 = tpu.pack_subelements %get3A_1228, %get3A_1235 {pack_format = #tpu.pack_format<interleaved>, positions = array<i32: 0, 1>} : vector<16xf32>, vector<16xf32> -> vector<32xbf16>
      %add3A_1237 = arith.constant 8 : i32
      %add3A_1238 = arith.addi %mul3A_174, %add3A_1237 : i32
      %add3A_1239 = arith.constant 7 : i32
      %add3A_1240 = arith.addi %add3A_1238, %add3A_1239 : i32
      %get3A_1241 = arith.index_cast %add3A_1240 : i32 to index
      %get3A_1242 = arith.constant 64 : index
      %get3A_1243 = tpu.vector_load %arg7[%get3A_1241, %get3A_1242] {strides = array<i32>} : memref<512x128xf32, #tpu.memory_space<vmem>>, vector<16xf32>,
      %add3A_1244 = arith.constant 8 : i32
      %add3A_1245 = arith.addi %mul3A_174, %add3A_1244 : i32
      %add3A_1246 = arith.constant 7 : i32
      %add3A_1247 = arith.addi %add3A_1245, %add3A_1246 : i32
      %get3A_1248 = arith.index_cast %add3A_1247 : i32 to index
      %get3A_1249 = arith.constant 80 : index
      %get3A_1250 = tpu.vector_load %arg7[%get3A_1248, %get3A_1249] {strides = array<i32>} : memref<512x128xf32, #tpu.memory_space<vmem>>, vector<16xf32>,
      %pack3A_1251 = tpu.pack_subelements %get3A_1243, %get3A_1250 {pack_format = #tpu.pack_format<interleaved>, positions = array<i32: 0, 1>} : vector<16xf32>, vector<16xf32> -> vector<32xbf16>
      %mul3A_1252 = arith.mulf %pack3A_1146, %pack3A_137 : vector<32xbf16>
      %add3A_1253 = arith.addf %add3A_1101, %mul3A_1252 : vector<32xbf16>
      %mul3A_1254 = arith.mulf %pack3A_1146, %pack3A_1146 : vector<32xbf16>
      %add3A_1255 = arith.addf %add3A_1103, %mul3A_1254 : vector<32xbf16>
      %mul3A_1256 = arith.mulf %pack3A_1161, %pack3A_137 : vector<32xbf16>
      %add3A_1257 = arith.addf %add3A_1105, %mul3A_1256 : vector<32xbf16>
      %mul3A_1258 = arith.mulf %pack3A_1161, %pack3A_1161 : vector<32xbf16>
      %add3A_1259 = arith.addf %add3A_1107, %mul3A_1258 : vector<32xbf16>
      %mul3A_1260 = arith.mulf %pack3A_1176, %pack3A_137 : vector<32xbf16>
      %add3A_1261 = arith.addf %add3A_1109, %mul3A_1260 : vector<32xbf16>
      %mul3A_1262 = arith.mulf %pack3A_1176, %pack3A_1176 : vector<32xbf16>
      %add3A_1263 = arith.addf %add3A_1111, %mul3A_1262 : vector<32xbf16>
      %mul3A_1264 = arith.mulf %pack3A_1191, %pack3A_137 : vector<32xbf16>
      %add3A_1265 = arith.addf %add3A_1113, %mul3A_1264 : vector<32xbf16>
      %mul3A_1266 = arith.mulf %pack3A_1191, %pack3A_1191 : vector<32xbf16>
      %add3A_1267 = arith.addf %add3A_1115, %mul3A_1266 : vector<32xbf16>
      %mul3A_1268 = arith.mulf %pack3A_1206, %pack3A_137 : vector<32xbf16>
      %add3A_1269 = arith.addf %add3A_1117, %mul3A_1268 : vector<32xbf16>
      %mul3A_1270 = arith.mulf %pack3A_1206, %pack3A_1206 : vector<32xbf16>
      %add3A_1271 = arith.addf %add3A_1119, %mul3A_1270 : vector<32xbf16>
      %mul3A_1272 = arith.mulf %pack3A_1221, %pack3A_137 : vector<32xbf16>
      %add3A_1273 = arith.addf %add3A_1121, %mul3A_1272 : vector<32xbf16>
      %mul3A_1274 = arith.mulf %pack3A_1221, %pack3A_1221 : vector<32xbf16>
      %add3A_1275 = arith.addf %add3A_1123, %mul3A_1274 : vector<32xbf16>
      %mul3A_1276 = arith.mulf %pack3A_1236, %pack3A_137 : vector<32xbf16>
      %add3A_1277 = arith.addf %add3A_1125, %mul3A_1276 : vector<32xbf16>
      %mul3A_1278 = arith.mulf %pack3A_1236, %pack3A_1236 : vector<32xbf16>
      %add3A_1279 = arith.addf %add3A_1127, %mul3A_1278 : vector<32xbf16>
      %mul3A_1280 = arith.mulf %pack3A_1251, %pack3A_137 : vector<32xbf16>
      %add3A_1281 = arith.addf %add3A_1129, %mul3A_1280 : vector<32xbf16>
      %mul3A_1282 = arith.mulf %pack3A_1251, %pack3A_1251 : vector<32xbf16>
      %add3A_1283 = arith.addf %add3A_1131, %mul3A_1282 : vector<32xbf16>
      %add3A_1284 = arith.constant 8 : i32
      %add3A_1285 = arith.addi %mul3A_174, %add3A_1284 : i32
      %add3A_1286 = arith.constant 0 : i32
      %add3A_1287 = arith.addi %add3A_1285, %add3A_1286 : i32
      %get3A_1288 = arith.index_cast %add3A_1287 : i32 to index
      %get3A_1289 = arith.constant 96 : index
      %get3A_1290 = tpu.vector_load %arg7[%get3A_1288, %get3A_1289] {strides = array<i32>} : memref<512x128xf32, #tpu.memory_space<vmem>>, vector<16xf32>,
      %add3A_1291 = arith.constant 8 : i32
      %add3A_1292 = arith.addi %mul3A_174, %add3A_1291 : i32
      %add3A_1293 = arith.constant 0 : i32
      %add3A_1294 = arith.addi %add3A_1292, %add3A_1293 : i32
      %get3A_1295 = arith.index_cast %add3A_1294 : i32 to index
      %get3A_1296 = arith.constant 112 : index
      %get3A_1297 = tpu.vector_load %arg7[%get3A_1295, %get3A_1296] {strides = array<i32>} : memref<512x128xf32, #tpu.memory_space<vmem>>, vector<16xf32>,
      %pack3A_1298 = tpu.pack_subelements %get3A_1290, %get3A_1297 {pack_format = #tpu.pack_format<interleaved>, positions = array<i32: 0, 1>} : vector<16xf32>, vector<16xf32> -> vector<32xbf16>
      %add3A_1299 = arith.constant 8 : i32
      %add3A_1300 = arith.addi %mul3A_174, %add3A_1299 : i32
      %add3A_1301 = arith.constant 1 : i32
      %add3A_1302 = arith.addi %add3A_1300, %add3A_1301 : i32
      %get3A_1303 = arith.index_cast %add3A_1302 : i32 to index
      %get3A_1304 = arith.constant 96 : index
      %get3A_1305 = tpu.vector_load %arg7[%get3A_1303, %get3A_1304] {strides = array<i32>} : memref<512x128xf32, #tpu.memory_space<vmem>>, vector<16xf32>,
      %add3A_1306 = arith.constant 8 : i32
      %add3A_1307 = arith.addi %mul3A_174, %add3A_1306 : i32
      %add3A_1308 = arith.constant 1 : i32
      %add3A_1309 = arith.addi %add3A_1307, %add3A_1308 : i32
      %get3A_1310 = arith.index_cast %add3A_1309 : i32 to index
      %get3A_1311 = arith.constant 112 : index
      %get3A_1312 = tpu.vector_load %arg7[%get3A_1310, %get3A_1311] {strides = array<i32>} : memref<512x128xf32, #tpu.memory_space<vmem>>, vector<16xf32>,
      %pack3A_1313 = tpu.pack_subelements %get3A_1305, %get3A_1312 {pack_format = #tpu.pack_format<interleaved>, positions = array<i32: 0, 1>} : vector<16xf32>, vector<16xf32> -> vector<32xbf16>
      %add3A_1314 = arith.constant 8 : i32
      %add3A_1315 = arith.addi %mul3A_174, %add3A_1314 : i32
      %add3A_1316 = arith.constant 2 : i32
      %add3A_1317 = arith.addi %add3A_1315, %add3A_1316 : i32
      %get3A_1318 = arith.index_cast %add3A_1317 : i32 to index
      %get3A_1319 = arith.constant 96 : index
      %get3A_1320 = tpu.vector_load %arg7[%get3A_1318, %get3A_1319] {strides = array<i32>} : memref<512x128xf32, #tpu.memory_space<vmem>>, vector<16xf32>,
      %add3A_1321 = arith.constant 8 : i32
      %add3A_1322 = arith.addi %mul3A_174, %add3A_1321 : i32
      %add3A_1323 = arith.constant 2 : i32
      %add3A_1324 = arith.addi %add3A_1322, %add3A_1323 : i32
      %get3A_1325 = arith.index_cast %add3A_1324 : i32 to index
      %get3A_1326 = arith.constant 112 : index
      %get3A_1327 = tpu.vector_load %arg7[%get3A_1325, %get3A_1326] {strides = array<i32>} : memref<512x128xf32, #tpu.memory_space<vmem>>, vector<16xf32>,
      %pack3A_1328 = tpu.pack_subelements %get3A_1320, %get3A_1327 {pack_format = #tpu.pack_format<interleaved>, positions = array<i32: 0, 1>} : vector<16xf32>, vector<16xf32> -> vector<32xbf16>
      %add3A_1329 = arith.constant 8 : i32
      %add3A_1330 = arith.addi %mul3A_174, %add3A_1329 : i32
      %add3A_1331 = arith.constant 3 : i32
      %add3A_1332 = arith.addi %add3A_1330, %add3A_1331 : i32
      %get3A_1333 = arith.index_cast %add3A_1332 : i32 to index
      %get3A_1334 = arith.constant 96 : index
      %get3A_1335 = tpu.vector_load %arg7[%get3A_1333, %get3A_1334] {strides = array<i32>} : memref<512x128xf32, #tpu.memory_space<vmem>>, vector<16xf32>,
      %add3A_1336 = arith.constant 8 : i32
      %add3A_1337 = arith.addi %mul3A_174, %add3A_1336 : i32
      %add3A_1338 = arith.constant 3 : i32
      %add3A_1339 = arith.addi %add3A_1337, %add3A_1338 : i32
      %get3A_1340 = arith.index_cast %add3A_1339 : i32 to index
      %get3A_1341 = arith.constant 112 : index
      %get3A_1342 = tpu.vector_load %arg7[%get3A_1340, %get3A_1341] {strides = array<i32>} : memref<512x128xf32, #tpu.memory_space<vmem>>, vector<16xf32>,
      %pack3A_1343 = tpu.pack_subelements %get3A_1335, %get3A_1342 {pack_format = #tpu.pack_format<interleaved>, positions = array<i32: 0, 1>} : vector<16xf32>, vector<16xf32> -> vector<32xbf16>
      %add3A_1344 = arith.constant 8 : i32
      %add3A_1345 = arith.addi %mul3A_174, %add3A_1344 : i32
      %add3A_1346 = arith.constant 4 : i32
      %add3A_1347 = arith.addi %add3A_1345, %add3A_1346 : i32
      %get3A_1348 = arith.index_cast %add3A_1347 : i32 to index
      %get3A_1349 = arith.constant 96 : index
      %get3A_1350 = tpu.vector_load %arg7[%get3A_1348, %get3A_1349] {strides = array<i32>} : memref<512x128xf32, #tpu.memory_space<vmem>>, vector<16xf32>,
      %add3A_1351 = arith.constant 8 : i32
      %add3A_1352 = arith.addi %mul3A_174, %add3A_1351 : i32
      %add3A_1353 = arith.constant 4 : i32
      %add3A_1354 = arith.addi %add3A_1352, %add3A_1353 : i32
      %get3A_1355 = arith.index_cast %add3A_1354 : i32 to index
      %get3A_1356 = arith.constant 112 : index
      %get3A_1357 = tpu.vector_load %arg7[%get3A_1355, %get3A_1356] {strides = array<i32>} : memref<512x128xf32, #tpu.memory_space<vmem>>, vector<16xf32>,
      %pack3A_1358 = tpu.pack_subelements %get3A_1350, %get3A_1357 {pack_format = #tpu.pack_format<interleaved>, positions = array<i32: 0, 1>} : vector<16xf32>, vector<16xf32> -> vector<32xbf16>
      %add3A_1359 = arith.constant 8 : i32
      %add3A_1360 = arith.addi %mul3A_174, %add3A_1359 : i32
      %add3A_1361 = arith.constant 5 : i32
      %add3A_1362 = arith.addi %add3A_1360, %add3A_1361 : i32
      %get3A_1363 = arith.index_cast %add3A_1362 : i32 to index
      %get3A_1364 = arith.constant 96 : index
      %get3A_1365 = tpu.vector_load %arg7[%get3A_1363, %get3A_1364] {strides = array<i32>} : memref<512x128xf32, #tpu.memory_space<vmem>>, vector<16xf32>,
      %add3A_1366 = arith.constant 8 : i32
      %add3A_1367 = arith.addi %mul3A_174, %add3A_1366 : i32
      %add3A_1368 = arith.constant 5 : i32
      %add3A_1369 = arith.addi %add3A_1367, %add3A_1368 : i32
      %get3A_1370 = arith.index_cast %add3A_1369 : i32 to index
      %get3A_1371 = arith.constant 112 : index
      %get3A_1372 = tpu.vector_load %arg7[%get3A_1370, %get3A_1371] {strides = array<i32>} : memref<512x128xf32, #tpu.memory_space<vmem>>, vector<16xf32>,
      %pack3A_1373 = tpu.pack_subelements %get3A_1365, %get3A_1372 {pack_format = #tpu.pack_format<interleaved>, positions = array<i32: 0, 1>} : vector<16xf32>, vector<16xf32> -> vector<32xbf16>
      %add3A_1374 = arith.constant 8 : i32
      %add3A_1375 = arith.addi %mul3A_174, %add3A_1374 : i32
      %add3A_1376 = arith.constant 6 : i32
      %add3A_1377 = arith.addi %add3A_1375, %add3A_1376 : i32
      %get3A_1378 = arith.index_cast %add3A_1377 : i32 to index
      %get3A_1379 = arith.constant 96 : index
      %get3A_1380 = tpu.vector_load %arg7[%get3A_1378, %get3A_1379] {strides = array<i32>} : memref<512x128xf32, #tpu.memory_space<vmem>>, vector<16xf32>,
      %add3A_1381 = arith.constant 8 : i32
      %add3A_1382 = arith.addi %mul3A_174, %add3A_1381 : i32
      %add3A_1383 = arith.constant 6 : i32
      %add3A_1384 = arith.addi %add3A_1382, %add3A_1383 : i32
      %get3A_1385 = arith.index_cast %add3A_1384 : i32 to index
      %get3A_1386 = arith.constant 112 : index
      %get3A_1387 = tpu.vector_load %arg7[%get3A_1385, %get3A_1386] {strides = array<i32>} : memref<512x128xf32, #tpu.memory_space<vmem>>, vector<16xf32>,
      %pack3A_1388 = tpu.pack_subelements %get3A_1380, %get3A_1387 {pack_format = #tpu.pack_format<interleaved>, positions = array<i32: 0, 1>} : vector<16xf32>, vector<16xf32> -> vector<32xbf16>
      %add3A_1389 = arith.constant 8 : i32
      %add3A_1390 = arith.addi %mul3A_174, %add3A_1389 : i32
      %add3A_1391 = arith.constant 7 : i32
      %add3A_1392 = arith.addi %add3A_1390, %add3A_1391 : i32
      %get3A_1393 = arith.index_cast %add3A_1392 : i32 to index
      %get3A_1394 = arith.constant 96 : index
      %get3A_1395 = tpu.vector_load %arg7[%get3A_1393, %get3A_1394] {strides = array<i32>} : memref<512x128xf32, #tpu.memory_space<vmem>>, vector<16xf32>,
      %add3A_1396 = arith.constant 8 : i32
      %add3A_1397 = arith.addi %mul3A_174, %add3A_1396 : i32
      %add3A_1398 = arith.constant 7 : i32
      %add3A_1399 = arith.addi %add3A_1397, %add3A_1398 : i32
      %get3A_1400 = arith.index_cast %add3A_1399 : i32 to index
      %get3A_1401 = arith.constant 112 : index
      %get3A_1402 = tpu.vector_load %arg7[%get3A_1400, %get3A_1401] {strides = array<i32>} : memref<512x128xf32, #tpu.memory_space<vmem>>, vector<16xf32>,
      %pack3A_1403 = tpu.pack_subelements %get3A_1395, %get3A_1402 {pack_format = #tpu.pack_format<interleaved>, positions = array<i32: 0, 1>} : vector<16xf32>, vector<16xf32> -> vector<32xbf16>
      %mul3A_1404 = arith.mulf %pack3A_1298, %pack3A_138 : vector<32xbf16>
      %add3A_1405 = arith.addf %add3A_1253, %mul3A_1404 : vector<32xbf16>
      %mul3A_1406 = arith.mulf %pack3A_1298, %pack3A_1298 : vector<32xbf16>
      %add3A_1407 = arith.addf %add3A_1255, %mul3A_1406 : vector<32xbf16>
      %mul3A_1408 = arith.mulf %pack3A_1313, %pack3A_138 : vector<32xbf16>
      %add3A_1409 = arith.addf %add3A_1257, %mul3A_1408 : vector<32xbf16>
      %mul3A_1410 = arith.mulf %pack3A_1313, %pack3A_1313 : vector<32xbf16>
      %add3A_1411 = arith.addf %add3A_1259, %mul3A_1410 : vector<32xbf16>
      %mul3A_1412 = arith.mulf %pack3A_1328, %pack3A_138 : vector<32xbf16>
      %add3A_1413 = arith.addf %add3A_1261, %mul3A_1412 : vector<32xbf16>
      %mul3A_1414 = arith.mulf %pack3A_1328, %pack3A_1328 : vector<32xbf16>
      %add3A_1415 = arith.addf %add3A_1263, %mul3A_1414 : vector<32xbf16>
      %mul3A_1416 = arith.mulf %pack3A_1343, %pack3A_138 : vector<32xbf16>
      %add3A_1417 = arith.addf %add3A_1265, %mul3A_1416 : vector<32xbf16>
      %mul3A_1418 = arith.mulf %pack3A_1343, %pack3A_1343 : vector<32xbf16>
      %add3A_1419 = arith.addf %add3A_1267, %mul3A_1418 : vector<32xbf16>
      %mul3A_1420 = arith.mulf %pack3A_1358, %pack3A_138 : vector<32xbf16>
      %add3A_1421 = arith.addf %add3A_1269, %mul3A_1420 : vector<32xbf16>
      %mul3A_1422 = arith.mulf %pack3A_1358, %pack3A_1358 : vector<32xbf16>
      %add3A_1423 = arith.addf %add3A_1271, %mul3A_1422 : vector<32xbf16>
      %mul3A_1424 = arith.mulf %pack3A_1373, %pack3A_138 : vector<32xbf16>
      %add3A_1425 = arith.addf %add3A_1273, %mul3A_1424 : vector<32xbf16>
      %mul3A_1426 = arith.mulf %pack3A_1373, %pack3A_1373 : vector<32xbf16>
      %add3A_1427 = arith.addf %add3A_1275, %mul3A_1426 : vector<32xbf16>
      %mul3A_1428 = arith.mulf %pack3A_1388, %pack3A_138 : vector<32xbf16>
      %add3A_1429 = arith.addf %add3A_1277, %mul3A_1428 : vector<32xbf16>
      %mul3A_1430 = arith.mulf %pack3A_1388, %pack3A_1388 : vector<32xbf16>
      %add3A_1431 = arith.addf %add3A_1279, %mul3A_1430 : vector<32xbf16>
      %mul3A_1432 = arith.mulf %pack3A_1403, %pack3A_138 : vector<32xbf16>
      %add3A_1433 = arith.addf %add3A_1281, %mul3A_1432 : vector<32xbf16>
      %mul3A_1434 = arith.mulf %pack3A_1403, %pack3A_1403 : vector<32xbf16>
      %add3A_1435 = arith.addf %add3A_1283, %mul3A_1434 : vector<32xbf16>
      %unpack3A_1436 = tpu.unpack_subelements %add3A_1405, 0 {pack_format = #tpu.pack_format<interleaved>} : vector<32xbf16> -> vector<16xf32>
      %unpack3A_1437 = tpu.unpack_subelements %add3A_1405, 1 {pack_format = #tpu.pack_format<interleaved>} : vector<32xbf16> -> vector<16xf32>
      %unpack3A_1438 = tpu.unpack_subelements %add3A_1407, 0 {pack_format = #tpu.pack_format<interleaved>} : vector<32xbf16> -> vector<16xf32>
      %unpack3A_1439 = tpu.unpack_subelements %add3A_1407, 1 {pack_format = #tpu.pack_format<interleaved>} : vector<32xbf16> -> vector<16xf32>
      %add3A_1440 = arith.addf %unpack3A_1436, %unpack3A_1437 : vector<16xf32>
      %add3A_1441 = arith.addf %unpack3A_1438, %unpack3A_1439 : vector<16xf32>
      %pack3A_1442 = tpu.pack_subelements %add3A_1440, %add3A_1441 {pack_format = #tpu.pack_format<interleaved>, positions = array<i32: 0, 1>} : vector<16xf32>, vector<16xf32> -> vector<32xbf16>
      %bitcast3A_1443 = vector.bitcast %pack3A_1442 : vector<32xbf16> to vector<16xf32>
      %swap3A_1444 = arith.constant 128 : index
      %swap3A_1445 = tpu.vector_load %arg9[%swap3A_1444] {strides = array<i32>} : memref<256xf32, #tpu.memory_space<vmem>>, vector<16xf32>,
      tpu.vector_store %arg9[%swap3A_1444], %bitcast3A_1443 {strides = array<i32>} : memref<256xf32, #tpu.memory_space<vmem>>, vector<16xf32>,
      %unpack3A_1446 = tpu.unpack_subelements %add3A_1409, 0 {pack_format = #tpu.pack_format<interleaved>} : vector<32xbf16> -> vector<16xf32>
      %unpack3A_1447 = tpu.unpack_subelements %add3A_1409, 1 {pack_format = #tpu.pack_format<interleaved>} : vector<32xbf16> -> vector<16xf32>
      %unpack3A_1448 = tpu.unpack_subelements %add3A_1411, 0 {pack_format = #tpu.pack_format<interleaved>} : vector<32xbf16> -> vector<16xf32>
      %unpack3A_1449 = tpu.unpack_subelements %add3A_1411, 1 {pack_format = #tpu.pack_format<interleaved>} : vector<32xbf16> -> vector<16xf32>
      %add3A_1450 = arith.addf %unpack3A_1446, %unpack3A_1447 : vector<16xf32>
      %add3A_1451 = arith.addf %unpack3A_1448, %unpack3A_1449 : vector<16xf32>
      %pack3A_1452 = tpu.pack_subelements %add3A_1450, %add3A_1451 {pack_format = #tpu.pack_format<interleaved>, positions = array<i32: 0, 1>} : vector<16xf32>, vector<16xf32> -> vector<32xbf16>
      %bitcast3A_1453 = vector.bitcast %pack3A_1452 : vector<32xbf16> to vector<16xf32>
      %swap3A_1454 = arith.constant 144 : index
      %swap3A_1455 = tpu.vector_load %arg9[%swap3A_1454] {strides = array<i32>} : memref<256xf32, #tpu.memory_space<vmem>>, vector<16xf32>,
      tpu.vector_store %arg9[%swap3A_1454], %bitcast3A_1453 {strides = array<i32>} : memref<256xf32, #tpu.memory_space<vmem>>, vector<16xf32>,
      %unpack3A_1456 = tpu.unpack_subelements %add3A_1413, 0 {pack_format = #tpu.pack_format<interleaved>} : vector<32xbf16> -> vector<16xf32>
      %unpack3A_1457 = tpu.unpack_subelements %add3A_1413, 1 {pack_format = #tpu.pack_format<interleaved>} : vector<32xbf16> -> vector<16xf32>
      %unpack3A_1458 = tpu.unpack_subelements %add3A_1415, 0 {pack_format = #tpu.pack_format<interleaved>} : vector<32xbf16> -> vector<16xf32>
      %unpack3A_1459 = tpu.unpack_subelements %add3A_1415, 1 {pack_format = #tpu.pack_format<interleaved>} : vector<32xbf16> -> vector<16xf32>
      %add3A_1460 = arith.addf %unpack3A_1456, %unpack3A_1457 : vector<16xf32>
      %add3A_1461 = arith.addf %unpack3A_1458, %unpack3A_1459 : vector<16xf32>
      %pack3A_1462 = tpu.pack_subelements %add3A_1460, %add3A_1461 {pack_format = #tpu.pack_format<interleaved>, positions = array<i32: 0, 1>} : vector<16xf32>, vector<16xf32> -> vector<32xbf16>
      %bitcast3A_1463 = vector.bitcast %pack3A_1462 : vector<32xbf16> to vector<16xf32>
      %swap3A_1464 = arith.constant 160 : index
      %swap3A_1465 = tpu.vector_load %arg9[%swap3A_1464] {strides = array<i32>} : memref<256xf32, #tpu.memory_space<vmem>>, vector<16xf32>,
      tpu.vector_store %arg9[%swap3A_1464], %bitcast3A_1463 {strides = array<i32>} : memref<256xf32, #tpu.memory_space<vmem>>, vector<16xf32>,
      %unpack3A_1466 = tpu.unpack_subelements %add3A_1417, 0 {pack_format = #tpu.pack_format<interleaved>} : vector<32xbf16> -> vector<16xf32>
      %unpack3A_1467 = tpu.unpack_subelements %add3A_1417, 1 {pack_format = #tpu.pack_format<interleaved>} : vector<32xbf16> -> vector<16xf32>
      %unpack3A_1468 = tpu.unpack_subelements %add3A_1419, 0 {pack_format = #tpu.pack_format<interleaved>} : vector<32xbf16> -> vector<16xf32>
      %unpack3A_1469 = tpu.unpack_subelements %add3A_1419, 1 {pack_format = #tpu.pack_format<interleaved>} : vector<32xbf16> -> vector<16xf32>
      %add3A_1470 = arith.addf %unpack3A_1466, %unpack3A_1467 : vector<16xf32>
      %add3A_1471 = arith.addf %unpack3A_1468, %unpack3A_1469 : vector<16xf32>
      %pack3A_1472 = tpu.pack_subelements %add3A_1470, %add3A_1471 {pack_format = #tpu.pack_format<interleaved>, positions = array<i32: 0, 1>} : vector<16xf32>, vector<16xf32> -> vector<32xbf16>
      %bitcast3A_1473 = vector.bitcast %pack3A_1472 : vector<32xbf16> to vector<16xf32>
      %swap3A_1474 = arith.constant 176 : index
      %swap3A_1475 = tpu.vector_load %arg9[%swap3A_1474] {strides = array<i32>} : memref<256xf32, #tpu.memory_space<vmem>>, vector<16xf32>,
      tpu.vector_store %arg9[%swap3A_1474], %bitcast3A_1473 {strides = array<i32>} : memref<256xf32, #tpu.memory_space<vmem>>, vector<16xf32>,
      %unpack3A_1476 = tpu.unpack_subelements %add3A_1421, 0 {pack_format = #tpu.pack_format<interleaved>} : vector<32xbf16> -> vector<16xf32>
      %unpack3A_1477 = tpu.unpack_subelements %add3A_1421, 1 {pack_format = #tpu.pack_format<interleaved>} : vector<32xbf16> -> vector<16xf32>
      %unpack3A_1478 = tpu.unpack_subelements %add3A_1423, 0 {pack_format = #tpu.pack_format<interleaved>} : vector<32xbf16> -> vector<16xf32>
      %unpack3A_1479 = tpu.unpack_subelements %add3A_1423, 1 {pack_format = #tpu.pack_format<interleaved>} : vector<32xbf16> -> vector<16xf32>
      %add3A_1480 = arith.addf %unpack3A_1476, %unpack3A_1477 : vector<16xf32>
      %add3A_1481 = arith.addf %unpack3A_1478, %unpack3A_1479 : vector<16xf32>
      %pack3A_1482 = tpu.pack_subelements %add3A_1480, %add3A_1481 {pack_format = #tpu.pack_format<interleaved>, positions = array<i32: 0, 1>} : vector<16xf32>, vector<16xf32> -> vector<32xbf16>
      %bitcast3A_1483 = vector.bitcast %pack3A_1482 : vector<32xbf16> to vector<16xf32>
      %swap3A_1484 = arith.constant 192 : index
      %swap3A_1485 = tpu.vector_load %arg9[%swap3A_1484] {strides = array<i32>} : memref<256xf32, #tpu.memory_space<vmem>>, vector<16xf32>,
      tpu.vector_store %arg9[%swap3A_1484], %bitcast3A_1483 {strides = array<i32>} : memref<256xf32, #tpu.memory_space<vmem>>, vector<16xf32>,
      %unpack3A_1486 = tpu.unpack_subelements %add3A_1425, 0 {pack_format = #tpu.pack_format<interleaved>} : vector<32xbf16> -> vector<16xf32>
      %unpack3A_1487 = tpu.unpack_subelements %add3A_1425, 1 {pack_format = #tpu.pack_format<interleaved>} : vector<32xbf16> -> vector<16xf32>
      %unpack3A_1488 = tpu.unpack_subelements %add3A_1427, 0 {pack_format = #tpu.pack_format<interleaved>} : vector<32xbf16> -> vector<16xf32>
      %unpack3A_1489 = tpu.unpack_subelements %add3A_1427, 1 {pack_format = #tpu.pack_format<interleaved>} : vector<32xbf16> -> vector<16xf32>
      %add3A_1490 = arith.addf %unpack3A_1486, %unpack3A_1487 : vector<16xf32>
      %add3A_1491 = arith.addf %unpack3A_1488, %unpack3A_1489 : vector<16xf32>
      %pack3A_1492 = tpu.pack_subelements %add3A_1490, %add3A_1491 {pack_format = #tpu.pack_format<interleaved>, positions = array<i32: 0, 1>} : vector<16xf32>, vector<16xf32> -> vector<32xbf16>
      %bitcast3A_1493 = vector.bitcast %pack3A_1492 : vector<32xbf16> to vector<16xf32>
      %swap3A_1494 = arith.constant 208 : index
      %swap3A_1495 = tpu.vector_load %arg9[%swap3A_1494] {strides = array<i32>} : memref<256xf32, #tpu.memory_space<vmem>>, vector<16xf32>,
      tpu.vector_store %arg9[%swap3A_1494], %bitcast3A_1493 {strides = array<i32>} : memref<256xf32, #tpu.memory_space<vmem>>, vector<16xf32>,
      %unpack3A_1496 = tpu.unpack_subelements %add3A_1429, 0 {pack_format = #tpu.pack_format<interleaved>} : vector<32xbf16> -> vector<16xf32>
      %unpack3A_1497 = tpu.unpack_subelements %add3A_1429, 1 {pack_format = #tpu.pack_format<interleaved>} : vector<32xbf16> -> vector<16xf32>
      %unpack3A_1498 = tpu.unpack_subelements %add3A_1431, 0 {pack_format = #tpu.pack_format<interleaved>} : vector<32xbf16> -> vector<16xf32>
      %unpack3A_1499 = tpu.unpack_subelements %add3A_1431, 1 {pack_format = #tpu.pack_format<interleaved>} : vector<32xbf16> -> vector<16xf32>
      %add3A_1500 = arith.addf %unpack3A_1496, %unpack3A_1497 : vector<16xf32>
      %add3A_1501 = arith.addf %unpack3A_1498, %unpack3A_1499 : vector<16xf32>
      %pack3A_1502 = tpu.pack_subelements %add3A_1500, %add3A_1501 {pack_format = #tpu.pack_format<interleaved>, positions = array<i32: 0, 1>} : vector<16xf32>, vector<16xf32> -> vector<32xbf16>
      %bitcast3A_1503 = vector.bitcast %pack3A_1502 : vector<32xbf16> to vector<16xf32>
      %swap3A_1504 = arith.constant 224 : index
      %swap3A_1505 = tpu.vector_load %arg9[%swap3A_1504] {strides = array<i32>} : memref<256xf32, #tpu.memory_space<vmem>>, vector<16xf32>,
      tpu.vector_store %arg9[%swap3A_1504], %bitcast3A_1503 {strides = array<i32>} : memref<256xf32, #tpu.memory_space<vmem>>, vector<16xf32>,
      %unpack3A_1506 = tpu.unpack_subelements %add3A_1433, 0 {pack_format = #tpu.pack_format<interleaved>} : vector<32xbf16> -> vector<16xf32>
      %unpack3A_1507 = tpu.unpack_subelements %add3A_1433, 1 {pack_format = #tpu.pack_format<interleaved>} : vector<32xbf16> -> vector<16xf32>
      %unpack3A_1508 = tpu.unpack_subelements %add3A_1435, 0 {pack_format = #tpu.pack_format<interleaved>} : vector<32xbf16> -> vector<16xf32>
      %unpack3A_1509 = tpu.unpack_subelements %add3A_1435, 1 {pack_format = #tpu.pack_format<interleaved>} : vector<32xbf16> -> vector<16xf32>
      %add3A_1510 = arith.addf %unpack3A_1506, %unpack3A_1507 : vector<16xf32>
      %add3A_1511 = arith.addf %unpack3A_1508, %unpack3A_1509 : vector<16xf32>
      %pack3A_1512 = tpu.pack_subelements %add3A_1510, %add3A_1511 {pack_format = #tpu.pack_format<interleaved>, positions = array<i32: 0, 1>} : vector<16xf32>, vector<16xf32> -> vector<32xbf16>
      %bitcast3A_1513 = vector.bitcast %pack3A_1512 : vector<32xbf16> to vector<16xf32>
      %swap3A_1514 = arith.constant 240 : index
      %swap3A_1515 = tpu.vector_load %arg9[%swap3A_1514] {strides = array<i32>} : memref<256xf32, #tpu.memory_space<vmem>>, vector<16xf32>,
      tpu.vector_store %arg9[%swap3A_1514], %bitcast3A_1513 {strides = array<i32>} : memref<256xf32, #tpu.memory_space<vmem>>, vector<16xf32>,
      %add3A_1516 = arith.constant 0 : i32
      %add3A_1517 = vector.broadcast %add3A_1516 : i32 to vector<16xi32>
      %add3A_1518 = arith.addi %mul3A_141, %add3A_1517 : vector<16xi32>
      %gather3A = tpu.vector_load_idx %arg9[%add3A_1518] : memref<256xf32, #tpu.memory_space<vmem>>[vector<16xi32>], vector<16xf32>,
      %bitcast3A_1519 = vector.bitcast %gather3A : vector<16xf32> to vector<32xbf16>
      %add3A_1520 = arith.constant 1 : i32
      %add3A_1521 = vector.broadcast %add3A_1520 : i32 to vector<16xi32>
      %add3A_1522 = arith.addi %mul3A_141, %add3A_1521 : vector<16xi32>
      %gather3A_1523 = tpu.vector_load_idx %arg9[%add3A_1522] : memref<256xf32, #tpu.memory_space<vmem>>[vector<16xi32>], vector<16xf32>,
      %bitcast3A_1524 = vector.bitcast %gather3A_1523 : vector<16xf32> to vector<32xbf16>
      %add3A_1525 = arith.constant 2 : i32
      %add3A_1526 = vector.broadcast %add3A_1525 : i32 to vector<16xi32>
      %add3A_1527 = arith.addi %mul3A_141, %add3A_1526 : vector<16xi32>
      %gather3A_1528 = tpu.vector_load_idx %arg9[%add3A_1527] : memref<256xf32, #tpu.memory_space<vmem>>[vector<16xi32>], vector<16xf32>,
      %bitcast3A_1529 = vector.bitcast %gather3A_1528 : vector<16xf32> to vector<32xbf16>
      %add3A_1530 = arith.constant 3 : i32
      %add3A_1531 = vector.broadcast %add3A_1530 : i32 to vector<16xi32>
      %add3A_1532 = arith.addi %mul3A_141, %add3A_1531 : vector<16xi32>
      %gather3A_1533 = tpu.vector_load_idx %arg9[%add3A_1532] : memref<256xf32, #tpu.memory_space<vmem>>[vector<16xi32>], vector<16xf32>,
      %bitcast3A_1534 = vector.bitcast %gather3A_1533 : vector<16xf32> to vector<32xbf16>
      %add3A_1535 = arith.constant 4 : i32
      %add3A_1536 = vector.broadcast %add3A_1535 : i32 to vector<16xi32>
      %add3A_1537 = arith.addi %mul3A_141, %add3A_1536 : vector<16xi32>
      %gather3A_1538 = tpu.vector_load_idx %arg9[%add3A_1537] : memref<256xf32, #tpu.memory_space<vmem>>[vector<16xi32>], vector<16xf32>,
      %bitcast3A_1539 = vector.bitcast %gather3A_1538 : vector<16xf32> to vector<32xbf16>
      %add3A_1540 = arith.constant 5 : i32
      %add3A_1541 = vector.broadcast %add3A_1540 : i32 to vector<16xi32>
      %add3A_1542 = arith.addi %mul3A_141, %add3A_1541 : vector<16xi32>
      %gather3A_1543 = tpu.vector_load_idx %arg9[%add3A_1542] : memref<256xf32, #tpu.memory_space<vmem>>[vector<16xi32>], vector<16xf32>,
      %bitcast3A_1544 = vector.bitcast %gather3A_1543 : vector<16xf32> to vector<32xbf16>
      %add3A_1545 = arith.constant 6 : i32
      %add3A_1546 = vector.broadcast %add3A_1545 : i32 to vector<16xi32>
      %add3A_1547 = arith.addi %mul3A_141, %add3A_1546 : vector<16xi32>
      %gather3A_1548 = tpu.vector_load_idx %arg9[%add3A_1547] : memref<256xf32, #tpu.memory_space<vmem>>[vector<16xi32>], vector<16xf32>,
      %bitcast3A_1549 = vector.bitcast %gather3A_1548 : vector<16xf32> to vector<32xbf16>
      %add3A_1550 = arith.constant 7 : i32
      %add3A_1551 = vector.broadcast %add3A_1550 : i32 to vector<16xi32>
      %add3A_1552 = arith.addi %mul3A_141, %add3A_1551 : vector<16xi32>
      %gather3A_1553 = tpu.vector_load_idx %arg9[%add3A_1552] : memref<256xf32, #tpu.memory_space<vmem>>[vector<16xi32>], vector<16xf32>,
      %bitcast3A_1554 = vector.bitcast %gather3A_1553 : vector<16xf32> to vector<32xbf16>
      %add3A_1555 = arith.constant 8 : i32
      %add3A_1556 = vector.broadcast %add3A_1555 : i32 to vector<16xi32>
      %add3A_1557 = arith.addi %mul3A_141, %add3A_1556 : vector<16xi32>
      %gather3A_1558 = tpu.vector_load_idx %arg9[%add3A_1557] : memref<256xf32, #tpu.memory_space<vmem>>[vector<16xi32>], vector<16xf32>,
      %bitcast3A_1559 = vector.bitcast %gather3A_1558 : vector<16xf32> to vector<32xbf16>
      %add3A_1560 = arith.constant 9 : i32
      %add3A_1561 = vector.broadcast %add3A_1560 : i32 to vector<16xi32>
      %add3A_1562 = arith.addi %mul3A_141, %add3A_1561 : vector<16xi32>
      %gather3A_1563 = tpu.vector_load_idx %arg9[%add3A_1562] : memref<256xf32, #tpu.memory_space<vmem>>[vector<16xi32>], vector<16xf32>,
      %bitcast3A_1564 = vector.bitcast %gather3A_1563 : vector<16xf32> to vector<32xbf16>
      %add3A_1565 = arith.constant 10 : i32
      %add3A_1566 = vector.broadcast %add3A_1565 : i32 to vector<16xi32>
      %add3A_1567 = arith.addi %mul3A_141, %add3A_1566 : vector<16xi32>
      %gather3A_1568 = tpu.vector_load_idx %arg9[%add3A_1567] : memref<256xf32, #tpu.memory_space<vmem>>[vector<16xi32>], vector<16xf32>,
      %bitcast3A_1569 = vector.bitcast %gather3A_1568 : vector<16xf32> to vector<32xbf16>
      %add3A_1570 = arith.constant 11 : i32
      %add3A_1571 = vector.broadcast %add3A_1570 : i32 to vector<16xi32>
      %add3A_1572 = arith.addi %mul3A_141, %add3A_1571 : vector<16xi32>
      %gather3A_1573 = tpu.vector_load_idx %arg9[%add3A_1572] : memref<256xf32, #tpu.memory_space<vmem>>[vector<16xi32>], vector<16xf32>,
      %bitcast3A_1574 = vector.bitcast %gather3A_1573 : vector<16xf32> to vector<32xbf16>
      %add3A_1575 = arith.constant 12 : i32
      %add3A_1576 = vector.broadcast %add3A_1575 : i32 to vector<16xi32>
      %add3A_1577 = arith.addi %mul3A_141, %add3A_1576 : vector<16xi32>
      %gather3A_1578 = tpu.vector_load_idx %arg9[%add3A_1577] : memref<256xf32, #tpu.memory_space<vmem>>[vector<16xi32>], vector<16xf32>,
      %bitcast3A_1579 = vector.bitcast %gather3A_1578 : vector<16xf32> to vector<32xbf16>
      %add3A_1580 = arith.constant 13 : i32
      %add3A_1581 = vector.broadcast %add3A_1580 : i32 to vector<16xi32>
      %add3A_1582 = arith.addi %mul3A_141, %add3A_1581 : vector<16xi32>
      %gather3A_1583 = tpu.vector_load_idx %arg9[%add3A_1582] : memref<256xf32, #tpu.memory_space<vmem>>[vector<16xi32>], vector<16xf32>,
      %bitcast3A_1584 = vector.bitcast %gather3A_1583 : vector<16xf32> to vector<32xbf16>
      %add3A_1585 = arith.constant 14 : i32
      %add3A_1586 = vector.broadcast %add3A_1585 : i32 to vector<16xi32>
      %add3A_1587 = arith.addi %mul3A_141, %add3A_1586 : vector<16xi32>
      %gather3A_1588 = tpu.vector_load_idx %arg9[%add3A_1587] : memref<256xf32, #tpu.memory_space<vmem>>[vector<16xi32>], vector<16xf32>,
      %bitcast3A_1589 = vector.bitcast %gather3A_1588 : vector<16xf32> to vector<32xbf16>
      %add3A_1590 = arith.constant 15 : i32
      %add3A_1591 = vector.broadcast %add3A_1590 : i32 to vector<16xi32>
      %add3A_1592 = arith.addi %mul3A_141, %add3A_1591 : vector<16xi32>
      %gather3A_1593 = tpu.vector_load_idx %arg9[%add3A_1592] : memref<256xf32, #tpu.memory_space<vmem>>[vector<16xi32>], vector<16xf32>,
      %bitcast3A_1594 = vector.bitcast %gather3A_1593 : vector<16xf32> to vector<32xbf16>
      %add3A_1595 = arith.addf %bitcast3A_1519, %bitcast3A_1524 : vector<32xbf16>
      %add3A_1596 = arith.addf %bitcast3A_1529, %bitcast3A_1534 : vector<32xbf16>
      %add3A_1597 = arith.addf %bitcast3A_1539, %bitcast3A_1544 : vector<32xbf16>
      %add3A_1598 = arith.addf %bitcast3A_1549, %bitcast3A_1554 : vector<32xbf16>
      %add3A_1599 = arith.addf %bitcast3A_1559, %bitcast3A_1564 : vector<32xbf16>
      %add3A_1600 = arith.addf %bitcast3A_1569, %bitcast3A_1574 : vector<32xbf16>
      %add3A_1601 = arith.addf %bitcast3A_1579, %bitcast3A_1584 : vector<32xbf16>
      %add3A_1602 = arith.addf %bitcast3A_1589, %bitcast3A_1594 : vector<32xbf16>
      %add3A_1603 = arith.addf %add3A_1595, %add3A_1596 : vector<32xbf16>
      %add3A_1604 = arith.addf %add3A_1597, %add3A_1598 : vector<32xbf16>
      %add3A_1605 = arith.addf %add3A_1599, %add3A_1600 : vector<32xbf16>
      %add3A_1606 = arith.addf %add3A_1601, %add3A_1602 : vector<32xbf16>
      %add3A_1607 = arith.addf %add3A_1603, %add3A_1604 : vector<32xbf16>
      %add3A_1608 = arith.addf %add3A_1605, %add3A_1606 : vector<32xbf16>
      %add3A_1609 = arith.addf %add3A_1607, %add3A_1608 : vector<32xbf16>
      %unpack3A_1610 = tpu.unpack_subelements %add3A_1609, 0 {pack_format = #tpu.pack_format<interleaved>} : vector<32xbf16> -> vector<16xf32>
      %unpack3A_1611 = tpu.unpack_subelements %add3A_1609, 1 {pack_format = #tpu.pack_format<interleaved>} : vector<32xbf16> -> vector<16xf32>
      %max3A = arith.constant 1.000000e-24 : f32
      %max3A_1612 = vector.broadcast %max3A : f32 to vector<16xf32>
      %max3A_1613 = arith.maximumf %unpack3A_1611, %max3A_1612 : vector<16xf32>
      %bitcast_convert_type3A = tpu.bitcast %max3A_1613 : vector<16xf32> -> vector<16xi32>
      %shift_right_logical3A = arith.constant 1 : i32
      %shift_right_logical3A_1614 = vector.broadcast %shift_right_logical3A : i32 to vector<16xi32>
      %shift_right_logical3A_1615 = arith.shrui %bitcast_convert_type3A, %shift_right_logical3A_1614 : vector<16xi32>
      %sub3A = arith.constant 1597463007 : i32
      %sub3A_1616 = vector.broadcast %sub3A : i32 to vector<16xi32>
      %sub3A_1617 = arith.subi %sub3A_1616, %shift_right_logical3A_1615 : vector<16xi32>
      %bitcast_convert_type3A_1618 = tpu.bitcast %sub3A_1617 : vector<16xi32> -> vector<16xf32>
      %mul3A_1619 = arith.constant 5.000000e-01 : f32
      %mul3A_1620 = vector.broadcast %mul3A_1619 : f32 to vector<16xf32>
      %mul3A_1621 = arith.mulf %mul3A_1620, %max3A_1613 : vector<16xf32>
      %mul3A_1622 = arith.mulf %mul3A_1621, %bitcast_convert_type3A_1618 : vector<16xf32>
      %mul3A_1623 = arith.mulf %mul3A_1622, %bitcast_convert_type3A_1618 : vector<16xf32>
      %sub3A_1624 = arith.constant 1.500000e+00 : f32
      %sub3A_1625 = vector.broadcast %sub3A_1624 : f32 to vector<16xf32>
      %sub3A_1626 = arith.subf %sub3A_1625, %mul3A_1623 : vector<16xf32>
      %mul3A_1627 = arith.mulf %bitcast_convert_type3A_1618, %sub3A_1626 : vector<16xf32>
      %mul3A_1628 = arith.constant 5.000000e-01 : f32
      %mul3A_1629 = vector.broadcast %mul3A_1628 : f32 to vector<16xf32>
      %mul3A_1630 = arith.mulf %mul3A_1629, %max3A_1613 : vector<16xf32>
      %mul3A_1631 = arith.mulf %mul3A_1630, %mul3A_1627 : vector<16xf32>
      %mul3A_1632 = arith.mulf %mul3A_1631, %mul3A_1627 : vector<16xf32>
      %sub3A_1633 = arith.constant 1.500000e+00 : f32
      %sub3A_1634 = vector.broadcast %sub3A_1633 : f32 to vector<16xf32>
      %sub3A_1635 = arith.subf %sub3A_1634, %mul3A_1632 : vector<16xf32>
      %mul3A_1636 = arith.mulf %mul3A_1627, %sub3A_1635 : vector<16xf32>
      %mul3A_1637 = arith.constant 5.000000e-01 : f32
      %mul3A_1638 = vector.broadcast %mul3A_1637 : f32 to vector<16xf32>
      %mul3A_1639 = arith.mulf %mul3A_1638, %max3A_1613 : vector<16xf32>
      %mul3A_1640 = arith.mulf %mul3A_1639, %mul3A_1636 : vector<16xf32>
      %mul3A_1641 = arith.mulf %mul3A_1640, %mul3A_1636 : vector<16xf32>
      %sub3A_1642 = arith.constant 1.500000e+00 : f32
      %sub3A_1643 = vector.broadcast %sub3A_1642 : f32 to vector<16xf32>
      %sub3A_1644 = arith.subf %sub3A_1643, %mul3A_1641 : vector<16xf32>
      %mul3A_1645 = arith.mulf %mul3A_1636, %sub3A_1644 : vector<16xf32>
      %mul3A_1646 = arith.mulf %unpack3A_1610, %mul3A_1645 : vector<16xf32>
      %swap3A_1647 = arith.index_cast %mul3A_174 : i32 to index
      %swap3A_1648 = tpu.vector_load %arg10[%swap3A_1647] {strides = array<i32>} : memref<512xf32, #tpu.memory_space<vmem>>, vector<16xf32>,
      tpu.vector_store %arg10[%swap3A_1647], %mul3A_1646 {strides = array<i32>} : memref<512xf32, #tpu.memory_space<vmem>>, vector<16xf32>,
    }
    %scan3A_159 = arith.constant 32 : i32
    "tpu.region"() ({
      %run_scoped3A = tpu.sem_alloc : memref<!tpu.dma_semaphore, #tpu.memory_space<semaphore_mem>>
      %dma_start3A_160 = tpu.memref_slice %arg5[%mul3A_2] : memref<16384xf32, #tpu.memory_space<hbm>> -> memref<512xf32, #tpu.memory_space<hbm>>
      %dma_start3A_161 = tpu.memref_slice %arg5[%mul3A_2] : memref<16384xf32, #tpu.memory_space<hbm>> -> memref<512xf32, #tpu.memory_space<hbm>>
      tpu.enqueue_dma source(%arg10 : memref<512xf32, #tpu.memory_space<vmem>>) target(%dma_start3A_161 : memref<512xf32, #tpu.memory_space<hbm>>) target_semaphore(%run_scoped3A : memref<!tpu.dma_semaphore, #tpu.memory_space<semaphore_mem>>)
      %dma_wait3A_162 = tpu.memref_slice %arg5[%mul3A_2] : memref<16384xf32, #tpu.memory_space<hbm>> -> memref<512xf32, #tpu.memory_space<hbm>>
      %dma_wait3A_163 = tpu.memref_slice %arg5[%mul3A_2] : memref<16384xf32, #tpu.memory_space<hbm>> -> memref<512xf32, #tpu.memory_space<hbm>>
      tpu.wait_dma2 semaphore(%run_scoped3A : memref<!tpu.dma_semaphore, #tpu.memory_space<semaphore_mem>>) src(%arg10 : memref<512xf32, #tpu.memory_space<vmem>>) dst(%dma_wait3A_163 : memref<512xf32, #tpu.memory_space<hbm>>)
      tpu.yield
    }) : () -> ()
    return
  }
}

module attributes {stable_mosaic.version = 14 : i64} {
  func.func @_proj_body(%arg0: memref<1536xf32, #tpu.memory_space<vmem>>, %arg1: memref<128x1536xf32, #tpu.memory_space<vmem>>, %arg2: memref<1x128xf32, #tpu.memory_space<vmem>>, %arg3: memref<128xf32, #tpu.memory_space<vmem>>) attributes {dimension_semantics = [], scalar_prefetch = 0 : i64, scratch_operands = 0 : i64, tpu.core_type = #tpu.core_type<tc>} {
    %get3A = arith.constant 0 : index
    %get3A_0 = vector.load %arg0[%get3A] : memref<1536xf32, #tpu.memory_space<vmem>>, vector<1536xf32>
    %reshape3A = vector.shape_cast %get3A_0 : vector<1536xf32> to vector<1x1536xf32>
    %get3A_1 = arith.constant 0 : index
    %get3A_2 = arith.constant 0 : index
    %get3A_3 = vector.load %arg1[%get3A_1, %get3A_2] : memref<128x1536xf32, #tpu.memory_space<vmem>>, vector<128x1536xf32>
    %dot_general3A = arith.constant dense<0.000000e+00> : vector<1x128xf32>
    %dot_general3A_4 = tpu.matmul %reshape3A, %get3A_3, %dot_general3A {dimension_numbers = #tpu.dot_dimension_numbers<[1], [1], [0], [0], [0, 0, 1, 0], [], []>, transpose_lhs_hint = false} : vector<1x1536xf32>, vector<128x1536xf32>, vector<1x128xf32> -> vector<1x128xf32>
    %get3A_5 = arith.constant 0 : index
    %get3A_6 = arith.constant 0 : index
    %get3A_7 = vector.load %arg2[%get3A_5, %get3A_6] : memref<1x128xf32, #tpu.memory_space<vmem>>, vector<1x128xf32>
    %mul3A = arith.mulf %dot_general3A_4, %get3A_7 : vector<1x128xf32>
    %reshape3A_8 = vector.shape_cast %mul3A : vector<1x128xf32> to vector<128xf32>
    %swap3A = arith.constant 0 : index
    %swap3A_9 = vector.load %arg3[%swap3A] : memref<128xf32, #tpu.memory_space<vmem>>, vector<128xf32>
    tpu.vector_store %arg3[%swap3A], %reshape3A_8 {strides = array<i32>} : memref<128xf32, #tpu.memory_space<vmem>>, vector<128xf32>,
    return
  }
}

</mosaic_0001>

<sc_bundles>
// kernel: kernel.4.cloned.1.call-start
scs
__scs_entry_jumppad:
0x0: {  	(pc) =	sbr.rel $0x88, $3  }
0x1: {  	(tag) =	ssettag $0x0;
	lr =	simm.s32 $0x1  }
0x2: {  	[smem:$0x3F9C] =	sst lr;
	_ =	strace $0xD0000000  }
0x3: {  	_ = 	snop  }
0x4: {  	_ = 	snop  }
0x5: {  	_ = 	snop  }
0x6: {  	_ = 	snop  }
0x7: {  	_ = 	snop  }
__scs_overlays_trampoline_lowered:
0x8: {  	[smem:$0x3FAB] =	sst s0  }
0x9: {  	[smem:$0x3FAC] =	sst s1  }
0xa: {  	[smem:$0x3FAD] =	sst s2  }
0xb: {  	[smem:$0x3FAE] =	sst s3  }
0xc: {  	[smem:$0x3FAF] =	sst s4  }
0xd: {  	[smem:$0x3FB0] =	sst s5  }
0xe: {  	[smem:$0x3FB1] =	sst s6  }
0xf: {  	[smem:$0x3FB2] =	sst s7  }
0x10: {  	[smem:$0x3FB3] =	sst s8  }
0x11: {  	[smem:$0x3FB4] =	sst s9;
	s0 =	simm.s32 @!p0 $0x0  }
0x12: {  	s1 =	sld [smem:$0x3F9A];
	s0 =	simm.s32 @p0 $0x1  }
0x13: {  	[smem:$0x3FB5] =	sst s0;
	s0 =	simm.s32 @!p1 $0x0  }
0x14: {  	s2 =	sld [smem:$0x3F99];
	s0 =	simm.s32 @p1 $0x1  }
0x15: {  	[smem:$0x3FB6] =	sst s0;
	s0 =	simm.s32 @!p2 $0x0  }
0x16: {  	s3 =	sld [smem:$0x3FDB];
	s0 =	simm.s32 @p2 $0x1  }
0x17: {  	s4 =	simm.s32 $0x1BF5;
	[smem:$0x3FB8] =	sst s0  }
0x18: {  	s0 =	sld [smem:$0x3F9B];
	_ =	swait.ge [sflag:s4], $0x0  }
0x19: {  	s7 =	sld [smem:$0x3F9C]  }
0x1a: {  	s8 =	sadd.s32 $0xFFFFE003, lr  }
0x1b: {  	s9 =	sadd.s32 $0xFFFFFEF7, lr;
	s5 =	simm.s32 $0xFFFFFFFF;
	p2 =	slt.u32 s8, $0xFFFFF086  }
0x1c: {  	p1 =	slt.u32 s9, $0xF7A;
	s5 =	simm.s32 @!p2 $0x0  }
0x1d: {  	s5 =	simm.s32 @p1 $0x1;
	p0 =	seq.s32 s7, s2  }
0x1e: {  	s7 =	smul.u32 @!p0 $0xF7A, s2;
	p2 =	seq.s32 @!p0 s5, $0x0  }
0x1f: {  	s9 =	smul.u32 $0xF7A, s1;
	s8 =	simm.s32 @!p0 $0x1BF5;
	p2 =	por !p2, p0  }
0x20: {  	[sflag:s8] =	ssyncset.s32 @!p0 $0xFFFFF086;
	s6 =	sadd.s32 @!p0 s3, s7;
	s7 =	simm.s32 @!p0 $0x108  }
0x21: {  	s3 =	sadd.s32 s3, s9;
	s6 =	sadd.s32 @!p0 $0x88, s6;
	s7 =	simm.s32 @p2 $0x1082  }
0x22: {  	[simem:s7], [sflag:s8] =	dma.local @!p0 [hbm:s6], $0xF7A  }
0x23: {  	s9 =	sor.u32 $0xD0000000, s2;
	s6 =	simm.s32 $0x108;
	_ =	swait.ge @!p0 [sflag:s8], $0x0  }
0x24: {  	s3 =	sadd.s32 $0x88, s3;
	s6 =	simm.s32 @!p1 $0x1082;
	[sflag:s4] =	ssyncset.s32 $0xFFFFF086  }
0x25: {  	[simem:s6], [sflag:s4] =	dma.local [hbm:s3], $0xF7A  }
0x26: {  	[smem:$0x3F9C] =	sst s1;
	(tag) =	ssettag s2;
	_ =	strace s9  }
0x27: {  	s1 =	sld [smem:$0x3FAC]  }
0x28: {  	s2 =	sld [smem:$0x3FAD]  }
0x29: {  	s4 =	sld [smem:$0x3FAF]  }
0x2a: {  	p0 =	seq.s32 s5, $0x0;
	s5 =	sld [smem:$0x3FB0]  }
0x2b: {  	s6 =	sld [smem:$0x3FB1]  }
0x2c: {  	s7 =	sld [smem:$0x3FB2]  }
0x2d: {  	s3 =	simm.s32 $0x108;
	s8 =	sld [smem:$0x3FB3]  }
0x2e: {  	s3 =	simm.s32 @!p0 $0x1082;
	s9 =	sld [smem:$0x3FB4]  }
0x2f: {  	lr =	sadd.s32 s0, s3;
	s0 =	sld [smem:$0x3FAB]  }
0x30: {  	s3 =	sld [smem:$0x3FAE]  }
0x31: {  	[smem:$0x3FB7] =	sst s10  }
0x32: {  	s10 =	sld [smem:$0x3FB5];
	_ =	sdelay $0x3  }
0x33: {  	p0 =	seq.s32 s10, $0x1;
	s10 =	sld [smem:$0x3FB7];
	_ =	sdelay $0x3  }
0x34: {  	[smem:$0x3FB7] =	sst s10  }
0x35: {  	s10 =	sld [smem:$0x3FB6];
	_ =	sdelay $0x3  }
0x36: {  	p1 =	seq.s32 s10, $0x1;
	s10 =	sld [smem:$0x3FB7];
	_ =	sdelay $0x3  }
0x37: {  	[smem:$0x3FB7] =	sst s10  }
0x38: {  	s10 =	sld [smem:$0x3FB8]  }
0x39: {  	_ = 	snop;
	(pc) =	sbr.ind lr, $3  }
0x3a: {  	_ = 	snop  }
0x3b: {  	_ = 	snop  }
0x3c: {  	p2 =	seq.s32 s10, $0x1;
	s10 =	sld [smem:$0x3FB7]  }
0x3d: {  	_ =	shalt  }
0x3e: {  	_ =	shalt  }
0x3f: {  	_ =	shalt  }
0x40: {  	_ =	shalt  }
0x41: {  	_ =	shalt  }
0x42: {  	_ =	shalt  }
0x43: {  	_ =	shalt  }
0x44: {  	_ =	shalt  }
0x45: {  	_ =	shalt  }
0x46: {  	_ =	shalt  }
0x47: {  	_ =	shalt  }
0x48: {  	_ =	shalt  }
0x49: {  	_ =	shalt  }
0x4a: {  	_ =	shalt  }
0x4b: {  	_ =	shalt  }
0x4c: {  	_ =	shalt  }
0x4d: {  	_ =	shalt  }
0x4e: {  	_ =	shalt  }
0x4f: {  	_ =	shalt  }
0x50: {  	_ =	shalt  }
0x51: {  	_ =	shalt  }
0x52: {  	_ =	shalt  }
0x53: {  	_ =	shalt  }
0x54: {  	_ =	shalt  }
0x55: {  	_ =	shalt  }
0x56: {  	_ =	shalt  }
0x57: {  	_ =	shalt  }
0x58: {  	_ =	shalt  }
0x59: {  	_ =	shalt  }
0x5a: {  	_ =	shalt  }
0x5b: {  	_ =	shalt  }
0x5c: {  	_ =	shalt  }
0x5d: {  	_ =	shalt  }
0x5e: {  	_ =	shalt  }
0x5f: {  	_ =	shalt  }
0x60: {  	_ =	shalt  }
0x61: {  	_ =	shalt  }
0x62: {  	_ =	shalt  }
0x63: {  	_ =	shalt  }
0x64: {  	_ =	shalt  }
0x65: {  	_ =	shalt  }
0x66: {  	_ =	shalt  }
0x67: {  	_ =	shalt  }
0x68: {  	_ =	shalt  }
0x69: {  	_ =	shalt  }
0x6a: {  	_ =	shalt  }
0x6b: {  	_ =	shalt  }
0x6c: {  	_ =	shalt  }
0x6d: {  	_ =	shalt  }
0x6e: {  	_ =	shalt  }
0x6f: {  	_ =	shalt  }
0x70: {  	_ =	shalt  }
0x71: {  	_ =	shalt  }
0x72: {  	_ =	shalt  }
0x73: {  	_ =	shalt  }
0x74: {  	_ =	shalt  }
0x75: {  	_ =	shalt  }
0x76: {  	_ =	shalt  }
0x77: {  	_ =	shalt  }
0x78: {  	_ =	shalt  }
0x79: {  	_ =	shalt  }
0x7a: {  	_ =	shalt  }
0x7b: {  	_ =	shalt  }
0x7c: {  	_ =	shalt  }
0x7d: {  	_ =	shalt  }
0x7e: {  	_ =	shalt  }
0x7f: {  	_ =	shalt  }
0x80: {  	_ =	shalt  }
0x81: {  	_ =	shalt  }
0x82: {  	_ =	shalt  }
0x83: {  	_ =	shalt  }
0x84: {  	_ =	shalt  }
0x85: {  	_ =	shalt  }
0x86: {  	_ =	shalt  }
0x87: {  	_ =	shalt  }
.Lfunc_end0:
.L_simem_size_0:
called_computation_lowered:
.L_overlay_start_0:
0x88: {  	s2 =	sld [smem:$0x3FD9]  }
0x89: {  	s3 =	sld [smem:$0x3FFE];
	_ =	sdelay $0x1  }
0x8a: {  	s1 =	srdreg.scid  }
0x8b: {  	s0 =	sand.u32 $0x1, s1  }
0x8c: {  	s17 =	sshll.u32 s0, $0xA;
	s2 =	sadd.s32 s3, s2  }
0x8d: {  	s2 =	sadd.s32 s2, s17  }
0x8e: {  	[smem:$0x3FC3] =	sst s2  }
0x8f: {  	_ = 	snop  }
0x90: {  	s2 =	sld [smem:$0x3FC9]  }
0x91: {  	s18 =	sld [smem:$0x3FC7]  }
0x92: {  	s4 =	sld [smem:$0x3FD0];
	(tm) =	ssettm $0x1  }
0x93: {  	s5 =	sld [smem:$0x3FFB];
	_ =	sdelay $0x3  }
0x94: {  	_ =	strace s5  }
0x95: {  	s5 =	sld [smem:$0x3FFC];
	_ =	sdelay $0x3  }
0x96: {  	_ =	strace s5  }
0x97: {  	s5 =	sld [smem:$0x3FFD];
	_ =	sdelay $0x3  }
0x98: {  	_ =	strace s5  }
0x99: {  	_ =	strace $0x8FFFFFFF  }
0x9a: {  	s19 =	sld [smem:$0x3FDB];
	_ =	sdelay $0x1  }
0x9b: {  	s6 =	simm.s32 $_scs_section_size  }
0x9c: {  	s7 =	simm.s32 $_size__tile_overlayer_lowered;
	s8 =	simm.s32 $_tile_overlayer_lowered  }
0x9d: {  	s22 =	simm.s32 $0x1BFF;
	s21 =	sshll.u32 s8, $0x1;
	s5 =	sadd.s32 s6, s19  }
0x9e: {  	s9 =	simm.s32 $0x0;
	s20 =	sshll.u32 s7, $0x1;
	s7 =	sadd.s32 s21, s5  }
0x9f: {  	[timem:s9], [sflag:s22] =	dma.local [hbm:s7], s20  }
0xa0: {  	_ =	swait.ge [sflag:s22], s20  }
0xa1: {  	s6 =	ssub.s32 $0x0, s20;
	[sflag:s22] =	ssyncset.done $0x0  }
0xa2: {  	[sflag:s22] =	ssyncadd.s32 s6;
	_ =	sdelay $0x1  }
0xa3: {  	s23 =	simm.s32 $0x1B8B  }
0xa4: {  	_ =	swait.ge [sflag:s23], $0x1  }
0xa5: {  	[sflag:s23] =	ssyncset.done $0x0  }
0xa6: {  	s25 =	simm.s32 $0x1B8E;
	s24 =	sld [smem:$0x3FFE];
	[sflag:s23] =	ssyncadd.s32 $0xFFFFFFFF  }
0xa7: {  	s26 =	simm.s32 $execute0_lowered;
	[smem:$0x3FD2] =	sst s25  }
0xa8: {  	s7 =	sshll.u32 s26, $0x1;
	_ =	strace $0x80000046;
	[dreg:$0x1] =	wrdreg $0xFFFFFFFF  }
0xa9: {  	s28 =	simm.s32 $_size_execute0_lowered;
	s5 =	sadd.s32 s5, s7;
	[dreg:$0x0] =	wrdreg $0x0  }
0xaa: {  	s7 =	sshll.u32 s28, $0x1;
	[dreg:$0x2] =	wrdreg s5  }
0xab: {  	[dreg:$0x3] =	wrdreg s7  }
0xac: {  	[dreg:$0x4] =	wrdreg $0xC0  }
0xad: {  	_ =	task [dreg:s9], $0x5FFFF  }
0xae: {  	[dreg:$0x1] =	wrdreg $0xFFFFFFFF  }
0xaf: {  	[dreg:$0x0] =	wrdreg $0x60  }
0xb0: {  	[dreg:$0x2] =	wrdreg s18  }
0xb1: {  	[dreg:$0x3] =	wrdreg s2  }
0xb2: {  	[dreg:$0x4] =	wrdreg s24  }
0xb3: {  	[dreg:$0x5] =	wrdreg s4  }
0xb4: {  	[dreg:$0x6] =	wrdreg $0x9  }
0xb5: {  	_ =	task.clear_ibuf [dreg:s9], $0x7FFFF;
	_ =	strace $0x90000046  }
0xb6: {  	s29 =	simm.s32 $0x9;
	_ =	strace $0x80000048  }
0xb7: {  	_ =	swait.ge [sflag:s29], $0x1  }
0xb8: {  	[sflag:s29] =	ssyncadd.s32 $0xFFFFFFFF  }
0xb9: {  	_ =	strace $0x90000048  }
0xba: {  	_ =	sfence  }
0xbb: {  	s30 =	sld [smem:$0x0];
	_ =	sdelay $0x2  }
0xbc: {  	s31 =	sshll.u32 s1, $0xD;
	s1 =	sshrl.u32 s1, $0x2  }
0xbd: {  	s3 =	sand.u32 $0x4000, s31;
	s1 =	sadd.s32 s1, s30  }
0xbe: {  	s0 =	sor.u32 s3, s0;
	s1 =	sshll.u32 s1, $0x11  }
0xbf: {  	s0 =	sor.u32 s1, s0  }
0xc0: {  	s0 =	sadd.s32 $0x8F2B, s0  }
0xc1: {  	[sflag:s0] =	ssyncadd.remote.s32 $0x1  }
0xc2: {  	_ =	sfence.sel $0xFFFF  }
0xc3: {  	[dreg:$0x0] =	wrdreg $0xFFFFFFFF;
	(pc) =	sbr.abs _section_cstart, $3  }
0xc4: {  	[dreg:$0x1] =	wrdreg $0xFFFFFFFF  }
0xc5: {  	_ =	task.clear_ibuf [dreg:s9], $0x2FFFF;
	_ =	strace $0x9FFFFFFF  }
0xc6: {  	(tm) =	ssettm $0x7FFFFFFF  }
0xc7: {  	_ =	shalt  }
tec
execute0_lowered:
.L_overlay_start_1:
0x0: {  	(tag) =	ssettag $0x1  }
0x1: {  	s1 =	rddreg [dreg:$0x0]  }
0x2: {  	s4 =	rddreg [dreg:$0x1]  }
0x3: {  	s5 =	rddreg [dreg:$0x2]  }
0x4: {  	s9 =	rddreg [dreg:$0x3];
	s3 =	srdreg.scid  }
0x5: {  	s0 =	rddreg [dreg:$0x4];
	s2 =	stileid.u32;
	s12 =	simm.s32 $0x80  }
0x6: {  	s13 =	simm.s32 $0x100;
	s14 =	simm.s32 $0x180;
	s15 =	simm.s32 $0x2  }
0x7: {  	s16 =	simm.s32 $0x200;
	s17 =	simm.s32 $0x4200;
	s18 =	simm.s32 $0x8200  }
0x8: {  	v0 =	vlaneseq.u32;
	s19 =	simm.s32 $0xC200;
	s20 =	simm.s32 $0x1;
	s21 =	simm.s32 $0x10280  }
0x9: {  	s22 =	simm.s32 $0x10380;
	s23 =	simm.s32 $0x3;
	s24 =	simm.s32 $0x0;
	v0 =	vmul.u32 $0x10, v0  }
0xa: {  	s6 =	sand.u32 $0x1, s3;
	s3 =	simm.s32 $0x0;
	s7 =	sshll.u32 s2, $0x7  }
0xb: {  	s5 =	sadd.s32 $0xC00, s5;
	s8 =	sshll.u32 s6, $0x6;
	s6 =	ssub.s32 $0x2, s6;
	v1 =	vor.u32 $0x1, v0;
	v2 =	vor.u32 $0x2, v0;
	v3 =	vor.u32 $0x3, v0  }
0xc: {  	[smem:$0x7FF] =	sst s3;
	s10 =	sor.u32 s8, s7;
	s31 =	sshrl.u32 s6, $0x1;
	v4 =	vor.u32 $0x4, v0;
	v5 =	vor.u32 $0x5, v0;
	v6 =	vor.u32 $0x6, v0  }
0xd: {  	_ =	strace $0x80000047;
	v7 =	vor.u32 $0x7, v0;
	v8 =	vor.u32 $0x8, v0;
	v9 =	vor.u32 $0x9, v0;
	s4 =	sadd.s32 s4, s10;
	s11 =	ssub.s32 s6, s31  }
0xe: {  	v10 =	vor.u32 $0xA, v0;
	v11 =	vor.u32 $0xB, v0;
	v12 =	vor.u32 $0xC, v0;
	s9 =	sadd.s32 s9, s10;
	s6 =	sadd.s32 $0x10, s4;
	s7 =	sadd.s32 $0x20, s4  }
0xf: {  	v13 =	vor.u32 $0xD, v0;
	v14 =	vor.u32 $0xE, v0;
	v15 =	vor.u32 $0xF, v0;
	s8 =	sadd.s32 $0x30, s4;
	s10 =	smax.u32 s11, $0x1;
	s11 =	simm.s32 $0x10200  }
.LBB2_1:
0x10: {  	[tilespmem:s11], [sflag:$0x2] =	stream.linear.gather [hbm4b:s5+s3], $0x80, $0x38;
	[tilespmem:$0x10580] =	vst v63  }
0x11: {  	_ = 	snop  }
0x12: {  	[tilespmem:s3], [sflag:$0x2] =	stream.linear.gather [hbm4b:s4+s3], $0x80, $0x38;
	[tilespmem:$0x10580] =	vst v63  }
0x13: {  	_ = 	snop  }
0x14: {  	[tilespmem:s12], [sflag:$0x2] =	stream.linear.gather [hbm4b:s6+s3], $0x80, $0x38;
	[tilespmem:$0x10580] =	vst v63  }
0x15: {  	_ = 	snop  }
0x16: {  	[tilespmem:s13], [sflag:$0x2] =	stream.linear.gather [hbm4b:s7+s3], $0x80, $0x38;
	[tilespmem:$0x10580] =	vst v63  }
0x17: {  	_ = 	snop  }
0x18: {  	[tilespmem:s14], [sflag:$0x2] =	stream.linear.gather [hbm4b:s8+s3], $0x80, $0x38;
	[tilespmem:$0x10580] =	vst v63  }
0x19: {  	_ =	swait.ge [sflag:s15], $0x80  }
0x1a: {  	[sflag:s15] =	ssyncset.done $0x0  }
0x1b: {  	[sflag:s15] =	ssyncadd.s32 $0xFFFFFF80  }
0x1c: {  	_ =	swait.ge [sflag:s15], $0x80  }
0x1d: {  	[sflag:s15] =	ssyncset.done $0x0  }
0x1e: {  	[sflag:s15] =	ssyncadd.s32 $0xFFFFFF80  }
0x1f: {  	_ =	swait.ge [sflag:s15], $0x80  }
0x20: {  	[sflag:s15] =	ssyncset.done $0x0  }
0x21: {  	[sflag:s15] =	ssyncadd.s32 $0xFFFFFF80  }
0x22: {  	_ =	swait.ge [sflag:s15], $0x80  }
0x23: {  	[sflag:s15] =	ssyncset.done $0x0  }
0x24: {  	[sflag:s15] =	ssyncadd.s32 $0xFFFFFF80  }
0x25: {  	_ =	swait.ge [sflag:s15], $0x80  }
0x26: {  	[sflag:s15] =	ssyncset.done $0x0  }
0x27: {  	[sflag:s15] =	ssyncadd.s32 $0xFFFFFF80  }
0x28: {  	[tilespmem:s16], [sflag:$0x1] =	stream.indirect.gather [hbm4b:s1+s12], $0x80, s3, s12, $0xb8;
	[tilespmem:$0x10580] =	vst v63  }
0x29: {  	_ = 	snop  }
0x2a: {  	[tilespmem:s17], [sflag:$0x1] =	stream.indirect.gather [hbm4b:s1+s12], $0x80, s12, s12, $0xb8;
	[tilespmem:$0x10580] =	vst v63  }
0x2b: {  	_ = 	snop  }
0x2c: {  	[tilespmem:s18], [sflag:$0x1] =	stream.indirect.gather [hbm4b:s1+s12], $0x80, s13, s12, $0xb8;
	[tilespmem:$0x10580] =	vst v63  }
0x2d: {  	_ = 	snop  }
0x2e: {  	[tilespmem:s19], [sflag:$0x1] =	stream.indirect.gather [hbm4b:s1+s12], $0x80, s14, s12, $0xb8;
	[tilespmem:$0x10580] =	vst v63  }
0x2f: {  	v16 =	vld [tilespmem:$0x10200]  }
0x30: {  	v17 =	vld [tilespmem:$0x10210]  }
0x31: {  	v18 =	vld [tilespmem:$0x10220]  }
0x32: {  	v19 =	vld [tilespmem:$0x10230]  }
0x33: {  	v20 =	vld [tilespmem:$0x10240]  }
0x34: {  	v21 =	vld [tilespmem:$0x10250]  }
0x35: {  	v22 =	vld [tilespmem:$0x10260]  }
0x36: {  	v23 =	vld [tilespmem:$0x10270];
	_ =	sdelay $0x2  }
0x37: {  	_ =	swait.ge [sflag:s20], $0x4000  }
0x38: {  	s25 =	simm.s32 $0x600;
	[sflag:s20] =	ssyncset.done $0x0;
	v16 =	vpack.i.f32.bf16 v17, v16  }
0x39: {  	s26 =	simm.s32 $0x10380;
	s28 =	simm.s32 $0x0;
	[sflag:s20] =	ssyncadd.s32 $0xFFFFC000;
	v17 =	vpack.i.f32.bf16 v19, v18;
	v18 =	vpack.i.f32.bf16 v21, v20;
	v19 =	vpack.i.f32.bf16 v23, v22  }
.LBB2_2:
0x3a: {  	p0 =	sgt.u32 s28, $0x18  }
0x3b: {  	s29 =	simm.s32 @!p0 $0x1  }
0x3c: {  	s29 =	sshll.u32 @!p0 s29, s28  }
0x3d: {  	s29 =	sand.u32 @!p0 $0x1010100, s29  }
0x3e: {  	p1 =	sne.s32 @!p0 s29, $0x0  }
0x3f: {  	p0 =	por !p1, p0  }
0x40: {  	s29 =	simm.s32 @!p0 $0x1  }
0x41: {  	_ =	swait.ge @!p0 [sflag:s29], $0x4000  }
0x42: {  	[sflag:s29] =	ssyncset.done @!p0 $0x0  }
0x43: {  	[sflag:s29] =	ssyncadd.s32 @!p0 $0xFFFFC000  }
0x44: {  	v20 =	vld [tilespmem:s25+$0xFFFFFC00]  }
0x45: {  	v21 =	vld [tilespmem:s25+$0xFFFFFC10]  }
0x46: {  	v22 =	vld [tilespmem:s25+$0xFFFFFC80]  }
0x47: {  	v23 =	vld [tilespmem:s25+$0xFFFFFC90]  }
0x48: {  	v24 =	vld [tilespmem:s25+$0xFFFFFD00]  }
0x49: {  	v25 =	vld [tilespmem:s25+$0xFFFFFD10]  }
0x4a: {  	v26 =	vld [tilespmem:s25+$0xFFFFFD80]  }
0x4b: {  	v27 =	vld [tilespmem:s25+$0xFFFFFD90]  }
0x4c: {  	v28 =	vld [tilespmem:s25+$0xFFFFFE00]  }
0x4d: {  	v29 =	vld [tilespmem:s25+$0xFFFFFE10]  }
0x4e: {  	v30 =	vld [tilespmem:s25+$0xFFFFFE80]  }
0x4f: {  	v31 =	vld [tilespmem:s25+$0xFFFFFE90]  }
0x50: {  	v32 =	vld [tilespmem:s25+$0xFFFFFF00]  }
0x51: {  	v33 =	vld [tilespmem:s25+$0xFFFFFF10]  }
0x52: {  	v34 =	vld [tilespmem:s25+$0xFFFFFF80]  }
0x53: {  	v35 =	vld [tilespmem:s25+$0xFFFFFF90]  }
0x54: {  	v36 =	vld [tilespmem:s25+$0xFFFFFC20]  }
0x55: {  	v37 =	vld [tilespmem:s25+$0xFFFFFC30]  }
0x56: {  	v38 =	vld [tilespmem:s25+$0xFFFFFCA0]  }
0x57: {  	v39 =	vld [tilespmem:s25+$0xFFFFFCB0]  }
0x58: {  	v40 =	vld [tilespmem:s25+$0xFFFFFD20]  }
0x59: {  	v41 =	vld [tilespmem:s25+$0xFFFFFD30]  }
0x5a: {  	v42 =	vld [tilespmem:s25+$0xFFFFFDA0]  }
0x5b: {  	v43 =	vld [tilespmem:s25+$0xFFFFFDB0]  }
0x5c: {  	v44 =	vld [tilespmem:s25+$0xFFFFFE20]  }
0x5d: {  	v45 =	vld [tilespmem:s25+$0xFFFFFE30];
	v20 =	vpack.i.f32.bf16 v21, v20  }
0x5e: {  	v46 =	vld [tilespmem:s25+$0xFFFFFEA0];
	v57 =	vpack.i.f32.bf16 v23, v22;
	v59 =	vpack.i.f32.bf16 v25, v24;
	v60 =	vpack.i.f32.bf16 v27, v26  }
0x5f: {  	v63 =	vld [tilespmem:s25+$0xFFFFFF30];
	v61 =	vpack.i.f32.bf16 v29, v28;
	v62 =	vpack.i.f32.bf16 v31, v30;
	v28 =	vmul.bf16 v20, v16  }
0x60: {  	v47 =	vld [tilespmem:s25+$0xFFFFFFA0];
	v58 =	vpack.i.f32.bf16 v33, v32;
	v29 =	vmul.bf16 v57, v16;
	v32 =	vmul.bf16 v59, v16  }
0x61: {  	v49 =	vld [tilespmem:s25+$0xFFFFFFB0];
	v34 =	vpack.i.f32.bf16 v35, v34;
	v33 =	vmul.bf16 v60, v16;
	v35 =	vmul.bf16 v61, v16  }
0x62: {  	v52 =	vld [tilespmem:s25+$0xFFFFFC40];
	v48 =	vmul.bf16 v62, v16;
	v50 =	vmul.bf16 v58, v16  }
0x63: {  	v53 =	vld [tilespmem:s25+$0xFFFFFC50];
	v51 =	vmul.bf16 v34, v16;
	v20 =	vmul.bf16 v20, v20  }
0x64: {  	v54 =	vld [tilespmem:s25+$0xFFFFFCC0];
	v21 =	vmul.bf16 v57, v57;
	v23 =	vmul.bf16 v59, v59  }
0x65: {  	v55 =	vld [tilespmem:s25+$0xFFFFFCD0];
	v24 =	vmul.bf16 v60, v60;
	v25 =	vmul.bf16 v61, v61  }
0x66: {  	v56 =	vld [tilespmem:s25+$0xFFFFFD40];
	v36 =	vpack.i.f32.bf16 v37, v36;
	v27 =	vmul.bf16 v62, v62;
	v31 =	vmul.bf16 v58, v58  }
0x67: {  	v22 =	vld [tilespmem:s25+$0xFFFFFEB0];
	v34 =	vmul.bf16 v34, v34;
	v59 =	vpack.i.f32.bf16 v39, v38;
	v60 =	vpack.i.f32.bf16 v41, v40  }
0x68: {  	v26 =	vld [tilespmem:s25+$0xFFFFFF20];
	v61 =	vpack.i.f32.bf16 v43, v42;
	v57 =	vmul.bf16 v59, v17;
	v37 =	vmul.bf16 v59, v59  }
0x69: {  	v39 =	vld [tilespmem:s25+$0xFFFFFD50];
	v62 =	vpack.i.f32.bf16 v45, v44;
	v58 =	vmul.bf16 v60, v17;
	v59 =	vmul.bf16 v60, v60  }
0x6a: {  	v42 =	vld [tilespmem:s25+$0xFFFFFDC0];
	v60 =	vmul.bf16 v61, v17;
	v40 =	vmul.bf16 v61, v61;
	v29 =	vadd.bf16 v57, v29  }
0x6b: {  	v43 =	vld [tilespmem:s25+$0xFFFFFDD0];
	v61 =	vmul.bf16 v62, v17;
	v21 =	vadd.bf16 v37, v21;
	v30 =	vadd.bf16 v58, v32  }
0x6c: {  	v44 =	vpack.i.f32.bf16 v49, v47;
	v38 =	vld [tilespmem:s25+$0xFFFFFEC0];
	v23 =	vadd.bf16 v59, v23;
	v32 =	vadd.bf16 v60, v33  }
0x6d: {  	v45 =	vld [tilespmem:s25+$0xFFFFFED0];
	v41 =	vmul.bf16 v62, v62;
	v24 =	vadd.bf16 v40, v24;
	v35 =	vadd.bf16 v61, v35  }
0x6e: {  	v47 =	vld [tilespmem:s25+$0xFFFFFF40];
	v59 =	vmul.bf16 v44, v17;
	v44 =	vmul.bf16 v44, v44;
	v61 =	vpack.i.f32.bf16 v55, v54  }
0x6f: {  	v49 =	vld [tilespmem:s25+$0xFFFFFC60];
	v26 =	vpack.i.f32.bf16 v63, v26;
	v63 =	vmul.bf16 v36, v17;
	v36 =	vmul.bf16 v36, v36  }
0x70: {  	v37 =	vld [tilespmem:s25+$0xFFFFFFC0];
	v22 =	vpack.i.f32.bf16 v22, v46;
	v54 =	vmul.bf16 v61, v18;
	v55 =	vmul.bf16 v61, v61  }
0x71: {  	v25 =	vadd.bf16 v41, v25;
	v58 =	vld [tilespmem:s25+$0xFFFFFFD0];
	v62 =	vmul.bf16 v22, v17;
	v22 =	vmul.bf16 v22, v22  }
0x72: {  	v60 =	vpack.i.f32.bf16 v53, v52;
	v52 =	vld [tilespmem:s25+$0xFFFFFCF0];
	v57 =	vmul.bf16 v26, v17;
	v26 =	vmul.bf16 v26, v26  }
0x73: {  	v53 =	vld [tilespmem:s25+$0xFFFFFEE0];
	v34 =	vadd.bf16 v44, v34;
	v39 =	vpack.i.f32.bf16 v39, v56;
	v42 =	vpack.i.f32.bf16 v43, v42  }
0x74: {  	v46 =	vld [tilespmem:s25+$0xFFFFFE40];
	v38 =	vpack.i.f32.bf16 v45, v38;
	v28 =	vadd.bf16 v63, v28;
	v20 =	vadd.bf16 v36, v20  }
0x75: {  	v44 =	vld [tilespmem:s25+$0xFFFFFCE0];
	v56 =	vmul.bf16 v39, v18;
	v29 =	vadd.bf16 v54, v29;
	v21 =	vadd.bf16 v55, v21  }
0x76: {  	v43 =	vld [tilespmem:s25+$0xFFFFFD60];
	v39 =	vmul.bf16 v39, v39;
	v33 =	vadd.bf16 v62, v48;
	v22 =	vadd.bf16 v22, v27  }
0x77: {  	v36 =	vld [tilespmem:s25+$0xFFFFFE50];
	v41 =	vadd.bf16 v57, v50;
	v26 =	vadd.bf16 v26, v31;
	v62 =	vmul.bf16 v60, v18  }
0x78: {  	v63 =	vld [tilespmem:s25+$0xFFFFFF50];
	v27 =	vadd.bf16 v59, v51;
	v57 =	vmul.bf16 v42, v18;
	v42 =	vmul.bf16 v42, v42  }
0x79: {  	v45 =	vld [tilespmem:s25+$0xFFFFFEF0];
	v59 =	vmul.bf16 v38, v18;
	v30 =	vadd.bf16 v56, v30;
	v23 =	vadd.bf16 v39, v23  }
0x7a: {  	v31 =	vld [tilespmem:s25+$0xFFFFFC70];
	v28 =	vadd.bf16 v62, v28;
	v32 =	vadd.bf16 v57, v32  }
0x7b: {  	v48 =	vld [tilespmem:s25+$0xFFFFFE60];
	v37 =	vpack.i.f32.bf16 v58, v37;
	v24 =	vadd.bf16 v42, v24;
	v33 =	vadd.bf16 v59, v33  }
0x7c: {  	v50 =	vld [tilespmem:s25+$0xFFFFFE70];
	v62 =	vmul.bf16 v37, v18;
	v37 =	vmul.bf16 v37, v37;
	v57 =	vpack.i.f32.bf16 v52, v44  }
0x7d: {  	v51 =	vld [tilespmem:s25+$0xFFFFFDE0];
	v36 =	vpack.i.f32.bf16 v36, v46;
	v40 =	vpack.i.f32.bf16 v63, v47;
	v63 =	vmul.bf16 v60, v60  }
0x7e: {  	v42 =	vld [tilespmem:s25+$0xFFFFFF70];
	v60 =	vmul.bf16 v38, v38;
	v27 =	vadd.bf16 v62, v27;
	v58 =	vmul.bf16 v36, v18  }
0x7f: {  	v47 =	vld [tilespmem:s25+$0xFFFFFD70];
	v34 =	vadd.bf16 v37, v34;
	v36 =	vmul.bf16 v36, v36;
	v61 =	vmul.bf16 v40, v18  }
0x80: {  	v46 =	vld [tilespmem:s25+$0xFFFFFDF0];
	v40 =	vmul.bf16 v40, v40;
	v31 =	vpack.i.f32.bf16 v31, v49;
	v20 =	vadd.bf16 v63, v20  }
0x81: {  	v38 =	vld [tilespmem:s25+$0xFFFFFF60];
	v22 =	vadd.bf16 v60, v22;
	v60 =	vpack.i.f32.bf16 v50, v48;
	v62 =	vmul.bf16 v31, v19  }
0x82: {  	v31 =	vmul.bf16 v31, v31;
	v35 =	vadd.bf16 v58, v35;
	v25 =	vadd.bf16 v36, v25  }
0x83: {  	v39 =	vadd.bf16 v61, v41;
	v26 =	vadd.bf16 v40, v26;
	v36 =	vmul.bf16 v57, v57  }
0x84: {  	v61 =	vpack.i.f32.bf16 v45, v53;
	v49 =	vmul.bf16 v60, v19;
	v50 =	vmul.bf16 v60, v60  }
0x85: {  	v56 =	vld [tilespmem:s25+$0xFFFFFFF0];
	v28 =	vadd.bf16 v62, v28;
	v20 =	vadd.bf16 v31, v20;
	v52 =	vmul.bf16 v61, v61  }
0x86: {  	v63 =	vld [tilespmem:s25+$0xFFFFFFE0];
	v58 =	vpack.i.f32.bf16 v47, v43;
	v59 =	vpack.i.f32.bf16 v46, v51;
	v38 =	vpack.i.f32.bf16 v42, v38  }
0x87: {  	v21 =	vadd.bf16 v36, v21;
	v51 =	vmul.bf16 v61, v19;
	v42 =	vmul.bf16 v58, v19  }
0x88: {  	v35 =	vadd.bf16 v49, v35;
	v46 =	vmul.bf16 v58, v58;
	v47 =	vmul.bf16 v59, v19  }
0x89: {  	v25 =	vadd.bf16 v50, v25;
	v48 =	vmul.bf16 v59, v59;
	v53 =	vmul.bf16 v38, v19  }
0x8a: {  	v54 =	vmul.bf16 v38, v38;
	v22 =	vadd.bf16 v52, v22;
	v58 =	vunpack.i.u.bf16.f32 v20  }
0x8b: {  	v20 =	vunpack.i.l.bf16.f32 v20;
	v40 =	vpack.i.f32.bf16 v56, v63;
	v63 =	vmul.bf16 v57, v19  }
0x8c: {  	v57 =	vunpack.i.u.bf16.f32 v28;
	v28 =	vunpack.i.l.bf16.f32 v28;
	v20 =	vadd.f32 v20, v58  }
0x8d: {  	v60 =	vunpack.i.u.bf16.f32 v21;
	v21 =	vunpack.i.l.bf16.f32 v21;
	v30 =	vadd.bf16 v42, v30  }
0x8e: {  	v41 =	vunpack.i.u.bf16.f32 v35;
	v23 =	vadd.bf16 v46, v23;
	v31 =	vadd.bf16 v47, v32  }
0x8f: {  	v35 =	vunpack.i.l.bf16.f32 v35;
	v24 =	vadd.bf16 v48, v24;
	v32 =	vadd.bf16 v51, v33  }
0x90: {  	v55 =	vmul.bf16 v40, v19;
	v33 =	vadd.bf16 v53, v39;
	v26 =	vadd.bf16 v54, v26  }
0x91: {  	v56 =	vmul.bf16 v40, v40;
	v28 =	vadd.f32 v28, v57;
	v21 =	vadd.f32 v21, v60  }
0x92: {  	v42 =	vunpack.i.u.bf16.f32 v25;
	v25 =	vunpack.i.l.bf16.f32 v25;
	v35 =	vadd.f32 v35, v41  }
0x93: {  	v45 =	vunpack.i.u.bf16.f32 v22;
	v22 =	vunpack.i.l.bf16.f32 v22;
	v29 =	vadd.bf16 v63, v29  }
0x94: {  	v25 =	vadd.f32 v25, v42;
	v22 =	vadd.f32 v22, v45  }
0x95: {  	v27 =	vadd.bf16 v55, v27;
	v34 =	vadd.bf16 v56, v34  }
0x96: {  	v61 =	vunpack.i.u.bf16.f32 v30;
	v30 =	vunpack.i.l.bf16.f32 v30;
	v62 =	vunpack.i.u.bf16.f32 v23  }
0x97: {  	v23 =	vunpack.i.l.bf16.f32 v23;
	v63 =	vunpack.i.u.bf16.f32 v31;
	v31 =	vunpack.i.l.bf16.f32 v31  }
0x98: {  	v40 =	vunpack.i.u.bf16.f32 v24;
	v24 =	vunpack.i.l.bf16.f32 v24;
	v20 =	vpack.i.f32.bf16 v20, v28  }
0x99: {  	v43 =	vunpack.i.u.bf16.f32 v32;
	v44 =	vunpack.i.l.bf16.f32 v32;
	v46 =	vunpack.i.u.bf16.f32 v33  }
0x9a: {  	v47 =	vunpack.i.l.bf16.f32 v33;
	v48 =	vunpack.i.u.bf16.f32 v26;
	v26 =	vunpack.i.l.bf16.f32 v26  }
0x9b: {  	v59 =	vunpack.i.u.bf16.f32 v29;
	v30 =	vadd.f32 v30, v61;
	v23 =	vadd.f32 v23, v62  }
0x9c: {  	v29 =	vunpack.i.l.bf16.f32 v29;
	v31 =	vadd.f32 v31, v63;
	v24 =	vadd.f32 v24, v40  }
0x9d: {  	v25 =	vpack.i.f32.bf16 v25, v35;
	[tilespmem:$0x10280] =	vst v20;
	v20 =	vadd.f32 v44, v43;
	v29 =	vadd.f32 v29, v59  }
0x9e: {  	v49 =	vadd.f32 v26, v48;
	v50 =	vunpack.i.u.bf16.f32 v27;
	[tilespmem:$0x102C0] =	vst v25;
	v23 =	vpack.i.f32.bf16 v23, v30  }
0x9f: {  	v51 =	vunpack.i.l.bf16.f32 v27;
	v52 =	vunpack.i.u.bf16.f32 v34;
	v21 =	vpack.i.f32.bf16 v21, v29;
	[tilespmem:$0x102A0] =	vst v23  }
0xa0: {  	v53 =	vunpack.i.l.bf16.f32 v34;
	v24 =	vpack.i.f32.bf16 v24, v31;
	[tilespmem:$0x10290] =	vst v21;
	v21 =	vadd.f32 v47, v46  }
0xa1: {  	v20 =	vpack.i.f32.bf16 v22, v20;
	v54 =	vadd.f32 v51, v50;
	v55 =	vadd.f32 v53, v52;
	[tilespmem:$0x102B0] =	vst v24  }
0xa2: {  	[tilespmem:$0x102D0] =	vst v20;
	v20 =	vpack.i.f32.bf16 v49, v21  }
0xa3: {  	[tilespmem:$0x102E0] =	vst v20;
	v20 =	vpack.i.f32.bf16 v55, v54  }
0xa4: {  	[tilespmem:$0x102F0] =	vst v20  }
0xa5: {  	v20 =	vld [tilespmem:s25+$0x0]  }
0xa6: {  	v56 =	vld [tilespmem:s25+$0x10]  }
0xa7: {  	v57 =	vld [tilespmem:s25+$0x80]  }
0xa8: {  	v58 =	vld [tilespmem:s25+$0x90]  }
0xa9: {  	v59 =	vld [tilespmem:s25+$0x100]  }
0xaa: {  	v25 =	vld [tilespmem:s25+$0x110]  }
0xab: {  	v60 =	vld [tilespmem:s25+$0x180]  }
0xac: {  	v48 =	vld [tilespmem:s25+$0x190]  }
0xad: {  	v49 =	vld [tilespmem:s25+$0x200]  }
0xae: {  	v50 =	vld [tilespmem:s25+$0x210]  }
0xaf: {  	v51 =	vld [tilespmem:s25+$0x280]  }
0xb0: {  	v52 =	vld [tilespmem:s25+$0x290]  }
0xb1: {  	v53 =	vld [tilespmem:s25+$0x300]  }
0xb2: {  	v54 =	vld [tilespmem:s25+$0x310]  }
0xb3: {  	v55 =	vld [tilespmem:s25+$0x380]  }
0xb4: {  	v61 =	vld [tilespmem:s25+$0x390]  }
0xb5: {  	v36 =	vld [tilespmem:s25+$0x20]  }
0xb6: {  	v37 =	vld [tilespmem:s25+$0x30]  }
0xb7: {  	v38 =	vld [tilespmem:s25+$0xA0]  }
0xb8: {  	v39 =	vld [tilespmem:s25+$0xB0]  }
0xb9: {  	v40 =	vld [tilespmem:s25+$0x120]  }
0xba: {  	v41 =	vld [tilespmem:s25+$0x130]  }
0xbb: {  	v42 =	vld [tilespmem:s25+$0x1A0]  }
0xbc: {  	v43 =	vld [tilespmem:s25+$0x1B0]  }
0xbd: {  	v44 =	vld [tilespmem:s25+$0x220]  }
0xbe: {  	v45 =	vld [tilespmem:s25+$0x230]  }
0xbf: {  	v46 =	vld [tilespmem:s25+$0x2A0]  }
0xc0: {  	v22 =	vld [tilespmem:s25+$0x2B0];
	v20 =	vpack.i.f32.bf16 v56, v20;
	v62 =	vpack.i.f32.bf16 v58, v57  }
0xc1: {  	v26 =	vld [tilespmem:s25+$0x320];
	v63 =	vpack.i.f32.bf16 v25, v59;
	v56 =	vpack.i.f32.bf16 v48, v60;
	v57 =	vpack.i.f32.bf16 v50, v49  }
0xc2: {  	v30 =	vld [tilespmem:s25+$0x330];
	v58 =	vpack.i.f32.bf16 v52, v51;
	v28 =	vmul.bf16 v20, v16;
	v29 =	vmul.bf16 v62, v16  }
0xc3: {  	v47 =	vld [tilespmem:s25+$0x340];
	v59 =	vpack.i.f32.bf16 v54, v53;
	v32 =	vmul.bf16 v63, v16;
	v33 =	vmul.bf16 v56, v16  }
0xc4: {  	v60 =	vld [tilespmem:s25+$0x3A0];
	v34 =	vpack.i.f32.bf16 v61, v55;
	v35 =	vmul.bf16 v57, v16;
	v48 =	vmul.bf16 v58, v16  }
0xc5: {  	v61 =	vld [tilespmem:s25+$0x3B0];
	v50 =	vmul.bf16 v59, v16;
	v51 =	vmul.bf16 v34, v16  }
0xc6: {  	v52 =	vld [tilespmem:s25+$0x40];
	v20 =	vmul.bf16 v20, v20;
	v21 =	vmul.bf16 v62, v62  }
0xc7: {  	v53 =	vld [tilespmem:s25+$0x50];
	v36 =	vpack.i.f32.bf16 v37, v36;
	v23 =	vmul.bf16 v63, v63;
	v24 =	vmul.bf16 v56, v56  }
0xc8: {  	v54 =	vld [tilespmem:s25+$0xC0];
	v22 =	vpack.i.f32.bf16 v22, v46;
	v25 =	vmul.bf16 v57, v57;
	v27 =	vmul.bf16 v58, v58  }
0xc9: {  	v55 =	vld [tilespmem:s25+$0xD0];
	v26 =	vpack.i.f32.bf16 v30, v26;
	v31 =	vmul.bf16 v59, v59;
	v34 =	vmul.bf16 v34, v34  }
0xca: {  	v46 =	vld [tilespmem:s25+$0x240];
	v62 =	vpack.i.f32.bf16 v39, v38;
	v57 =	vpack.i.f32.bf16 v43, v42;
	v59 =	vmul.bf16 v36, v17  }
0xcb: {  	v56 =	vld [tilespmem:s25+$0x140];
	v58 =	vpack.i.f32.bf16 v45, v44;
	v36 =	vmul.bf16 v36, v36;
	v37 =	vmul.bf16 v62, v62  }
0xcc: {  	v63 =	vpack.i.f32.bf16 v41, v40;
	v39 =	vld [tilespmem:s25+$0x150];
	v40 =	vmul.bf16 v57, v57;
	v49 =	vmul.bf16 v58, v17  }
0xcd: {  	v42 =	vld [tilespmem:s25+$0x1C0];
	v41 =	vmul.bf16 v58, v58;
	v28 =	vadd.bf16 v59, v28;
	v20 =	vadd.bf16 v36, v20  }
0xce: {  	v43 =	vld [tilespmem:s25+$0x1D0];
	v59 =	vmul.bf16 v26, v17;
	v26 =	vmul.bf16 v26, v26;
	v21 =	vadd.bf16 v37, v21  }
0xcf: {  	v38 =	vld [tilespmem:s25+$0x2C0];
	v24 =	vadd.bf16 v40, v24;
	v44 =	vpack.i.f32.bf16 v61, v60;
	v60 =	vmul.bf16 v62, v17  }
0xd0: {  	v45 =	vld [tilespmem:s25+$0x2D0];
	v35 =	vadd.bf16 v49, v35;
	v61 =	vmul.bf16 v63, v17;
	v62 =	vmul.bf16 v63, v63  }
0xd1: {  	v58 =	vld [tilespmem:s25+$0x350];
	v25 =	vadd.bf16 v41, v25;
	v63 =	vmul.bf16 v57, v17;
	v57 =	vmul.bf16 v22, v17  }
0xd2: {  	v36 =	vld [tilespmem:s25+$0x250];
	v22 =	vmul.bf16 v22, v22;
	v41 =	vadd.bf16 v59, v50;
	v26 =	vadd.bf16 v26, v31  }
0xd3: {  	v37 =	vld [tilespmem:s25+$0x3C0];
	v39 =	vpack.i.f32.bf16 v39, v56;
	v29 =	vadd.bf16 v60, v29;
	v30 =	vadd.bf16 v61, v32  }
0xd4: {  	v49 =	vld [tilespmem:s25+$0x60];
	v42 =	vpack.i.f32.bf16 v43, v42;
	v23 =	vadd.bf16 v62, v23;
	v32 =	vadd.bf16 v63, v33  }
0xd5: {  	v31 =	vld [tilespmem:s25+$0x70];
	v38 =	vpack.i.f32.bf16 v45, v38;
	v33 =	vadd.bf16 v57, v48;
	v22 =	vadd.bf16 v22, v27  }
0xd6: {  	v50 =	vld [tilespmem:s25+$0x270];
	v61 =	vmul.bf16 v44, v17;
	v44 =	vmul.bf16 v44, v44;
	v62 =	vpack.i.f32.bf16 v53, v52  }
0xd7: {  	v43 =	vld [tilespmem:s25+$0x160];
	v63 =	vpack.i.f32.bf16 v55, v54;
	v40 =	vpack.i.f32.bf16 v58, v47;
	v55 =	vmul.bf16 v38, v18  }
0xd8: {  	v45 =	vld [tilespmem:s25+$0x2F0];
	v56 =	vmul.bf16 v38, v38;
	v36 =	vpack.i.f32.bf16 v36, v46;
	v57 =	vmul.bf16 v62, v18  }
0xd9: {  	v60 =	vld [tilespmem:s25+$0x3D0];
	v58 =	vmul.bf16 v62, v62;
	v59 =	vmul.bf16 v63, v18;
	v27 =	vadd.bf16 v61, v51  }
0xda: {  	v52 =	vld [tilespmem:s25+$0xF0];
	v62 =	vmul.bf16 v42, v18;
	v34 =	vadd.bf16 v44, v34;
	v33 =	vadd.bf16 v55, v33  }
0xdb: {  	v47 =	vld [tilespmem:s25+$0x170];
	v42 =	vmul.bf16 v42, v42;
	v22 =	vadd.bf16 v56, v22;
	v28 =	vadd.bf16 v57, v28  }
0xdc: {  	v48 =	vld [tilespmem:s25+$0x260];
	v61 =	vmul.bf16 v39, v18;
	v20 =	vadd.bf16 v58, v20;
	v29 =	vadd.bf16 v59, v29  }
0xdd: {  	v53 =	vld [tilespmem:s25+$0x2E0];
	v39 =	vmul.bf16 v39, v39;
	v32 =	vadd.bf16 v62, v32;
	v24 =	vadd.bf16 v42, v24  }
0xde: {  	v46 =	vld [tilespmem:s25+$0x1F0];
	v58 =	vmul.bf16 v40, v18;
	v40 =	vmul.bf16 v40, v40;
	v31 =	vpack.i.f32.bf16 v31, v49  }
0xdf: {  	v44 =	vld [tilespmem:s25+$0xE0];
	v30 =	vadd.bf16 v61, v30;
	v23 =	vadd.bf16 v39, v23;
	v55 =	vmul.bf16 v31, v19  }
0xe0: {  	v51 =	vld [tilespmem:s25+$0x1E0];
	v31 =	vmul.bf16 v31, v31;
	v37 =	vpack.i.f32.bf16 v60, v37;
	v60 =	vmul.bf16 v63, v63  }
0xe1: {  	v57 =	vld [tilespmem:s25+$0x360];
	v63 =	vmul.bf16 v36, v18;
	v36 =	vmul.bf16 v36, v36;
	v39 =	vadd.bf16 v58, v41  }
0xe2: {  	v59 =	vld [tilespmem:s25+$0x370];
	v26 =	vadd.bf16 v40, v26;
	v49 =	vpack.i.f32.bf16 v47, v43;
	v53 =	vpack.i.f32.bf16 v45, v53  }
0xe3: {  	v28 =	vadd.bf16 v55, v28;
	v20 =	vadd.bf16 v31, v20;
	v58 =	vmul.bf16 v49, v49  }
0xe4: {  	v41 =	vmul.bf16 v53, v53;
	v21 =	vadd.bf16 v60, v21;
	v35 =	vadd.bf16 v63, v35  }
0xe5: {  	v62 =	vld [tilespmem:s25+$0x3F0];
	v25 =	vadd.bf16 v36, v25;
	v60 =	vmul.bf16 v37, v18;
	v37 =	vmul.bf16 v37, v37  }
0xe6: {  	v61 =	vld [tilespmem:s25+$0x3E0];
	v63 =	vpack.i.f32.bf16 v52, v44;
	v51 =	vpack.i.f32.bf16 v46, v51;
	v52 =	vpack.i.f32.bf16 v50, v48  }
0xe7: {  	v38 =	vpack.i.f32.bf16 v59, v57;
	v56 =	vmul.bf16 v63, v19;
	v36 =	vmul.bf16 v63, v63  }
0xe8: {  	v57 =	vmul.bf16 v49, v19;
	v59 =	vmul.bf16 v51, v19;
	v23 =	vadd.bf16 v58, v23  }
0xe9: {  	v63 =	vmul.bf16 v53, v19;
	v22 =	vadd.bf16 v41, v22;
	v46 =	vunpack.i.u.bf16.f32 v28  }
0xea: {  	v28 =	vunpack.i.l.bf16.f32 v28;
	v47 =	vunpack.i.u.bf16.f32 v20;
	v20 =	vunpack.i.l.bf16.f32 v20  }
0xeb: {  	v27 =	vadd.bf16 v60, v27;
	v34 =	vadd.bf16 v37, v34;
	v40 =	vpack.i.f32.bf16 v62, v61  }
0xec: {  	v60 =	vmul.bf16 v51, v51;
	v61 =	vmul.bf16 v52, v19;
	v28 =	vadd.f32 v28, v46  }
0xed: {  	v62 =	vmul.bf16 v52, v52;
	v20 =	vadd.f32 v20, v47;
	v29 =	vadd.bf16 v56, v29  }
0xee: {  	v42 =	vmul.bf16 v38, v19;
	v21 =	vadd.bf16 v36, v21;
	v30 =	vadd.bf16 v57, v30  }
0xef: {  	v43 =	vmul.bf16 v38, v38;
	v31 =	vadd.bf16 v59, v32;
	v32 =	vadd.bf16 v63, v33  }
0xf0: {  	v44 =	vmul.bf16 v40, v19;
	v45 =	vmul.bf16 v40, v40;
	v51 =	vunpack.i.u.bf16.f32 v23  }
0xf1: {  	v23 =	vunpack.i.l.bf16.f32 v23;
	v24 =	vadd.bf16 v60, v24;
	v35 =	vadd.bf16 v61, v35  }
0xf2: {  	v58 =	vunpack.i.u.bf16.f32 v22;
	v25 =	vadd.bf16 v62, v25;
	v33 =	vadd.bf16 v42, v39  }
0xf3: {  	v22 =	vunpack.i.l.bf16.f32 v22;
	v26 =	vadd.bf16 v43, v26;
	v23 =	vadd.f32 v23, v51  }
0xf4: {  	v20 =	vpack.i.f32.bf16 v20, v28;
	v22 =	vadd.f32 v22, v58;
	v27 =	vadd.bf16 v44, v27  }
0xf5: {  	v34 =	vadd.bf16 v45, v34;
	v48 =	vunpack.i.u.bf16.f32 v29;
	v29 =	vunpack.i.l.bf16.f32 v29  }
0xf6: {  	v49 =	vunpack.i.u.bf16.f32 v21;
	v21 =	vunpack.i.l.bf16.f32 v21;
	v50 =	vunpack.i.u.bf16.f32 v30  }
0xf7: {  	v30 =	vunpack.i.l.bf16.f32 v30;
	v52 =	vunpack.i.u.bf16.f32 v31;
	v31 =	vunpack.i.l.bf16.f32 v31  }
0xf8: {  	v56 =	vunpack.i.u.bf16.f32 v32;
	v57 =	vunpack.i.l.bf16.f32 v32;
	v29 =	vadd.f32 v29, v48  }
0xf9: {  	v21 =	vadd.f32 v21, v49;
	v30 =	vadd.f32 v30, v50;
	v53 =	vunpack.i.u.bf16.f32 v24  }
0xfa: {  	v24 =	vunpack.i.l.bf16.f32 v24;
	v31 =	vadd.f32 v31, v52;
	v54 =	vunpack.i.u.bf16.f32 v35  }
0xfb: {  	v35 =	vunpack.i.l.bf16.f32 v35;
	v55 =	vunpack.i.u.bf16.f32 v25;
	v25 =	vunpack.i.l.bf16.f32 v25  }
0xfc: {  	[tilespmem:$0x10300] =	vst v20;
	v20 =	vadd.f32 v57, v56;
	v59 =	vunpack.i.u.bf16.f32 v33;
	v60 =	vunpack.i.l.bf16.f32 v33  }
0xfd: {  	v61 =	vunpack.i.u.bf16.f32 v26;
	v26 =	vunpack.i.l.bf16.f32 v26;
	v24 =	vadd.f32 v24, v53  }
0xfe: {  	v35 =	vadd.f32 v35, v54;
	v25 =	vadd.f32 v25, v55;
	v21 =	vpack.i.f32.bf16 v21, v29  }
0xff: {  	v62 =	vadd.f32 v26, v61;
	v63 =	vunpack.i.u.bf16.f32 v27;
	v23 =	vpack.i.f32.bf16 v23, v30;
	[tilespmem:$0x10310] =	vst v21  }
0x100: {  	v32 =	vunpack.i.l.bf16.f32 v27;
	v33 =	vunpack.i.u.bf16.f32 v34;
	v20 =	vpack.i.f32.bf16 v22, v20;
	[tilespmem:$0x10320] =	vst v23  }
0x101: {  	v34 =	vunpack.i.l.bf16.f32 v34;
	v24 =	vpack.i.f32.bf16 v24, v31;
	v21 =	vadd.f32 v60, v59;
	[tilespmem:$0x10350] =	vst v20  }
0x102: {  	v36 =	vadd.f32 v34, v33;
	v25 =	vpack.i.f32.bf16 v25, v35;
	v35 =	vadd.f32 v32, v63;
	[tilespmem:$0x10330] =	vst v24  }
0x103: {  	[tilespmem:$0x10340] =	vst v25;
	v20 =	vpack.i.f32.bf16 v62, v21  }
0x104: {  	[tilespmem:$0x10360] =	vst v20;
	v20 =	vpack.i.f32.bf16 v36, v35  }
0x105: {  	[tilespmem:$0x10370] =	vst v20  }
0x106: {  	v20 =	vld.idx.msk [tilespmem:v0+s21+$0x0], $0xffff  }
0x107: {  	v37 =	vld.idx.msk [tilespmem:v1+s21+$0x0], $0xffff  }
0x108: {  	v38 =	vld.idx.msk [tilespmem:v2+s21+$0x0], $0xffff  }
0x109: {  	v39 =	vld.idx.msk [tilespmem:v3+s21+$0x0], $0xffff  }
0x10a: {  	v40 =	vld.idx.msk [tilespmem:v4+s21+$0x0], $0xffff  }
0x10b: {  	v25 =	vld.idx.msk [tilespmem:v5+s21+$0x0], $0xffff  }
0x10c: {  	v41 =	vld.idx.msk [tilespmem:v6+s21+$0x0], $0xffff  }
0x10d: {  	v42 =	vld.idx.msk [tilespmem:v7+s21+$0x0], $0xffff  }
0x10e: {  	v43 =	vld.idx.msk [tilespmem:v8+s21+$0x0], $0xffff  }
0x10f: {  	v44 =	vld.idx.msk [tilespmem:v9+s21+$0x0], $0xffff  }
0x110: {  	v45 =	vld.idx.msk [tilespmem:v10+s21+$0x0], $0xffff  }
0x111: {  	v46 =	vld.idx.msk [tilespmem:v11+s21+$0x0], $0xffff  }
0x112: {  	v47 =	vld.idx.msk [tilespmem:v12+s21+$0x0], $0xffff  }
0x113: {  	v48 =	vld.idx.msk [tilespmem:v13+s21+$0x0], $0xffff  }
0x114: {  	v49 =	vld.idx.msk [tilespmem:v14+s21+$0x0], $0xffff  }
0x115: {  	v50 =	vld.idx.msk [tilespmem:v15+s21+$0x0], $0xffff;
	_ =	sdelay $0x1  }
0x116: {  	v20 =	vadd.bf16 v37, v20;
	v51 =	vadd.bf16 v39, v38  }
0x117: {  	v52 =	vadd.bf16 v25, v40;
	v53 =	vadd.bf16 v42, v41  }
0x118: {  	v54 =	vadd.bf16 v44, v43;
	v55 =	vadd.bf16 v46, v45  }
0x119: {  	v56 =	vadd.bf16 v48, v47;
	v57 =	vadd.bf16 v50, v49  }
0x11a: {  	v20 =	vadd.bf16 v51, v20;
	v58 =	vadd.bf16 v53, v52  }
0x11b: {  	v59 =	vadd.bf16 v55, v54;
	v60 =	vadd.bf16 v57, v56;
	_ =	sdelay $0x1  }
0x11c: {  	v20 =	vadd.bf16 v58, v20;
	v61 =	vadd.bf16 v60, v59;
	_ =	sdelay $0x1  }
0x11d: {  	v20 =	vadd.bf16 v61, v20;
	_ =	sdelay $0x1  }
0x11e: {  	v21 =	vunpack.i.u.bf16.f32 v20  }
0x11f: {  	v21 =	vmax.f32 v21, $1.000000020e-24  }
0x120: {  	v62 =	vshrl.u32 v21, $0x1;
	v21 =	vmul.f32 $5.000000000e-01, v21  }
0x121: {  	v22 =	vsub.s32 $0x5F3759DF, v62  }
0x122: {  	v63 =	vmul.f32 v22, v21;
	_ =	sdelay $0x1  }
0x123: {  	v23 =	vmul.f32 v22, v63;
	_ =	sdelay $0x1  }
0x124: {  	v23 =	vsub.f32 $1.500000000e+00, v23;
	_ =	sdelay $0x1  }
0x125: {  	v22 =	vmul.f32 v22, v23;
	_ =	sdelay $0x1  }
0x126: {  	v23 =	vmul.f32 v22, v21;
	_ =	sdelay $0x1  }
0x127: {  	v23 =	vmul.f32 v23, v22;
	_ =	sdelay $0x1  }
0x128: {  	v23 =	vsub.f32 $1.500000000e+00, v23;
	_ =	sdelay $0x1  }
0x129: {  	v22 =	vmul.f32 v23, v22;
	_ =	sdelay $0x1  }
0x12a: {  	v21 =	vmul.f32 v22, v21;
	_ =	sdelay $0x1  }
0x12b: {  	v21 =	vmul.f32 v21, v22;
	_ =	sdelay $0x1  }
0x12c: {  	s28 =	sadd.s32 $0x1, s28;
	v21 =	vsub.f32 $1.500000000e+00, v21  }
0x12d: {  	p0 =	sne.s32 s28, $0x20  }
.Ltmp0:
0x12e: {  	v21 =	vmul.f32 v21, v22;
	(pc) =	sbr.rel @p0 .LBB2_2-.Ltmp0, $3  }
0x12f: {  	v20 =	vunpack.i.l.bf16.f32 v20  }
0x130: {  	v20 =	vmul.f32 v21, v20;
	_ =	sdelay $0x1  }
0x131: {  	s25 =	sadd.s32 $0x800, s25;
	[tilespmem:s26+$0x0] =	vst v20;
	s26 =	sadd.s32 $0x10, s26  }
0x132: {  	s24 =	sadd.s32 $0x1, s24  }
0x133: {  	p0 =	sne.s32 s24, s10  }
.Ltmp1:
0x134: {  	_ = 	snop;
	(pc) =	sbr.rel @p0 .LBB2_1-.Ltmp1, $4  }
0x135: {  	[hbm4b:s9+s3] =	stream.linear.scatter [tilespmem:s22], [sflag:$0x3], $0x200, $0x38;
	[tilespmem:$0x10580] =	vst v63  }
0x136: {  	_ =	swait.ge [sflag:s23], $0x200  }
0x137: {  	[sflag:s23] =	ssyncset.done $0x0  }
0x138: {  	[sflag:s23] =	ssyncadd.s32 $0xFFFFFE00  }
0x139: {  	_ =	sfence.sel $0x180000  }
0x13a: {  	[bflag:$0x0] =	sbarrier.arrive $0xFFFF  }
0x13b: {  	p0 =	sne.s32 s2, $0x0;
	_ =	strace $0x90000047  }
0x13c: {  	s0 =	sadd.s32 @!p0 $0x100000, s0;
	[bflag:$0x2] =	sbarrier.arrive $0xFFFF  }
0x13d: {  	[sflag:s0] =	ssyncadd.tile.s32 @!p0 $0x1;
	_ =	shalt  }
.Lfunc_end2:
_tile_overlayer_lowered:
.L_overlay_start_2:
0x13e: {  	(tag) =	ssettag $0x2  }
0x13f: {  	s0 =	rddreg [dreg:$0x0];
	s2 =	stileid.u32  }
0x140: {  	s1 =	rddreg [dreg:$0x1];
	p0 =	sne.s32 s2, $0x0  }
0x141: {  	s3 =	rddreg [dreg:$0x2];
	[bflag:$0x3] =	sbarrier.arrive $0xFFFF;
	s2 =	simm.s32 @!p0 $0x1C03  }
0x142: {  	[timem:s3], [sflag:s2] =	dma.local @!p0 [hbm:s0], s1  }
0x143: {  	s0 =	simm.s32 @!p0 $0x3  }
0x144: {  	_ =	swait.ge @!p0 [sflag:s0], s1  }
0x145: {  	s1 =	ssub.s32 @!p0 $0x0, s1;
	[sflag:s0] =	ssyncset.done @!p0 $0x0  }
0x146: {  	[sflag:s0] =	ssyncadd.s32 @!p0 s1  }
0x147: {  	[bflag:$0x3] =	sbarrier.arrive $0xFFFF  }
0x148: {  	_ =	shalt  }

</sc_bundles>
